<compile_context>
chip_gen: v7x
topology: tpu7x:2x2x1
jax: 0.10.2.dev20260603
libtpu: 0.0.44.dev20260713+nightly
codegen_flags: <defaults>
</compile_context>

<pallas_src>
import functools

import jax
import jax.numpy as jnp
from jax import lax
from jax.experimental import pallas as pl
from jax.experimental.pallas import tpu as pltpu
from jax.experimental.pallas import tpu_sc as plsc

N, D, F, E = 10000, 256, 256, 160000
NC, NS, L = 2, 16, 16
EP = 163840
CH = 128
ROWS_ALL = EP // CH
NCH_A = EP // (NC * NS) // CH
NCH_B = EP // NS // CH
SROWS = 10240
STRIPE = SROWS // NS
HD = 128
NH = 2
HALF = NCH_B // 2
ZR = 16

_mesh = plsc.VectorSubcoreMesh(core_axis_name="c", subcore_axis_name="s")


def _deg_body(row_hbm, col_hbm, colp_hbm, deg_hbm,
              row_v, col_v, rp_v, ones_v, z_v, deg_sh):
    c = lax.axis_index("c")
    s = lax.axis_index("s")
    w = s * NC + c

    def _fill_ones(i, _):
        ones_v[i, :] = jnp.ones((L,), jnp.float32)
        return 0
    lax.fori_loop(0, CH, _fill_ones, 0)

    def _fill_z(i, _):
        z_v[i, :] = jnp.zeros((L,), jnp.float32)
        return 0
    lax.fori_loop(0, STRIPE, _fill_z, 0)

    pltpu.sync_copy(z_v, deg_sh.at[pl.ds(s * STRIPE, STRIPE)])
    plsc.subcore_barrier()

    base = w * NCH_A
    pltpu.sync_copy(row_hbm.at[pl.ds(base, NCH_A)], row_v)
    pltpu.sync_copy(col_hbm.at[pl.ds(base, NCH_A)], col_v)

    def _remap(i, _):
        j = i // (CH // L)
        g = i % (CH // L)
        r = row_v[j, pl.ds(g * L, L)]
        cc = col_v[j, pl.ds(g * L, L)]
        sl = r == cc
        rp_v[j, pl.ds(g * L, L)] = jnp.where(sl, N, r)
        col_v[j, pl.ds(g * L, L)] = jnp.where(sl, N, cc)
        return 0
    lax.fori_loop(0, NCH_A * (CH // L), _remap, 0)

    def _scat(j, _):
        pltpu.sync_copy(ones_v, deg_sh.at[rp_v.at[j]], add=True)
        return 0
    lax.fori_loop(0, NCH_A, _scat, 0)

    pltpu.sync_copy(col_v, colp_hbm.at[pl.ds(base, NCH_A)])
    plsc.subcore_barrier()

    pltpu.sync_copy(deg_sh.at[pl.ds(s * STRIPE, STRIPE)],
                    deg_hbm.at[pl.ds(s * STRIPE, STRIPE), pl.ds(c * L, L)])


_deg_kernel = functools.partial(
    pl.kernel,
    out_type=(
        jax.ShapeDtypeStruct((ROWS_ALL, CH), jnp.int32),
        jax.ShapeDtypeStruct((SROWS, NC * L), jnp.float32),
    ),
    mesh=_mesh,
    compiler_params=pltpu.CompilerParams(use_tc_tiling_on_sc=False),
    scratch_types=[
        pltpu.VMEM((NCH_A, CH), jnp.int32),
        pltpu.VMEM((NCH_A, CH), jnp.int32),
        pltpu.VMEM((NCH_A, CH), jnp.int32),
        pltpu.VMEM((CH, L), jnp.float32),
        pltpu.VMEM((STRIPE, L), jnp.float32),
        pltpu.VMEM_SHARED((SROWS, L), jnp.float32),
    ],
)(_deg_body)


CH2 = 64
NCHH = EP // NS // CH2 // 2
NBUF = 4


def _scatter_body(row_hbm, colp_hbm, xtab_hbm, out_hbm,
                  rp_v, cp_v, g0, g1, g2, g3, z_v, S_sh,
                  gs0, gs1, gs2, gs3):
    c = lax.axis_index("c")
    s = lax.axis_index("s")
    gb = (g0, g1, g2, g3)
    gs = (gs0, gs1, gs2, gs3)

    def _fill_z(i, _):
        j = i // (HD // L)
        g = i % (HD // L)
        z_v[j, pl.ds(g * L, L)] = jnp.zeros((L,), jnp.float32)
        return 0
    lax.fori_loop(0, ZR * (HD // L), _fill_z, 0)

    def _zero(i, _):
        pltpu.sync_copy(z_v, S_sh.at[pl.ds(s * STRIPE + i * ZR, ZR)])
        return 0
    lax.fori_loop(0, STRIPE // ZR, _zero, 0)

    delta = c * N

    for half in range(2):
        base = (s * 2 + half) * NCHH
        pltpu.sync_copy(colp_hbm.at[pl.ds(base, NCHH)], cp_v)
        pltpu.sync_copy(row_hbm.at[pl.ds(base, NCHH)], rp_v)

        def _addoff(i, _):
            j = i // (CH2 // L)
            g = i % (CH2 // L)
            rp_v[j, pl.ds(g * L, L)] = rp_v[j, pl.ds(g * L, L)] + delta
            return 0
        lax.fori_loop(0, NCHH * (CH2 // L), _addoff, 0)
        if half == 0:
            plsc.subcore_barrier()

        for k in range(NBUF):
            pltpu.async_copy(xtab_hbm.at[rp_v.at[k]], gb[k], gs[k])

        def _pipe(h, _):
            j = NBUF * h
            for k in range(NBUF):
                pltpu.make_async_copy(
                    xtab_hbm.at[rp_v.at[j + k]], gb[k], gs[k]).wait()
                pltpu.sync_copy(gb[k], S_sh.at[cp_v.at[j + k]], add=True)
                pltpu.async_copy(
                    xtab_hbm.at[rp_v.at[j + k + NBUF]], gb[k], gs[k])
            return 0
        lax.fori_loop(0, NCHH // NBUF - 1, _pipe, 0)

        for k in range(NBUF):
            j = NCHH - NBUF + k
            pltpu.make_async_copy(
                xtab_hbm.at[rp_v.at[j]], gb[k], gs[k]).wait()
            pltpu.sync_copy(gb[k], S_sh.at[cp_v.at[j]], add=True)

    plsc.subcore_barrier()
    pltpu.sync_copy(S_sh.at[pl.ds(s * STRIPE, STRIPE)],
                    out_hbm.at[pl.ds(c * SROWS + s * STRIPE, STRIPE)])


_scatter_kernel = functools.partial(
    pl.kernel,
    out_type=jax.ShapeDtypeStruct((NH * SROWS, HD), jnp.float32),
    mesh=_mesh,
    compiler_params=pltpu.CompilerParams(use_tc_tiling_on_sc=False),
    scratch_types=[
        pltpu.VMEM((NCHH, CH2), jnp.int32),
        pltpu.VMEM((NCHH, CH2), jnp.int32),
        pltpu.VMEM((CH2, HD), jnp.float32),
        pltpu.VMEM((CH2, HD), jnp.float32),
        pltpu.VMEM((CH2, HD), jnp.float32),
        pltpu.VMEM((CH2, HD), jnp.float32),
        pltpu.VMEM((ZR, HD), jnp.float32),
        pltpu.VMEM_SHARED((SROWS, HD), jnp.float32),
        pltpu.SemaphoreType.DMA,
        pltpu.SemaphoreType.DMA,
        pltpu.SemaphoreType.DMA,
        pltpu.SemaphoreType.DMA,
    ],
)(_scatter_body)


def _scale_body(x_ref, deg_ref, out_ref):
    deg = deg_ref[:, 0:1] + deg_ref[:, L:L + 1]
    dinv = jnp.where(deg > 0.0, lax.rsqrt(deg), 0.0)
    out_ref[...] = x_ref[...] * dinv


def _scale_x(x, deg2):
    BR = 1000
    grid = N // BR
    return pl.pallas_call(
        _scale_body,
        grid=(NH, grid),
        in_specs=[
            pl.BlockSpec((BR, HD), lambda h, i: (i, h)),
            pl.BlockSpec((BR, NC * L), lambda h, i: (i, 0)),
        ],
        out_specs=pl.BlockSpec((BR, HD), lambda h, i: (h * grid + i, 0)),
        out_shape=jax.ShapeDtypeStruct((NH * N, HD), jnp.float32),
    )(x, deg2)


def _xw_body(x_ref, wz_ref, wh_ref, out_ref):
    out_ref[:, :F] = jnp.dot(x_ref[...], wz_ref[...],
                             preferred_element_type=jnp.float32)
    out_ref[:, F:] = jnp.dot(x_ref[...], wh_ref[...],
                             preferred_element_type=jnp.float32)


def _xw_dense(x, wz0, wh0):
    BR = 2000
    grid = N // BR
    return pl.pallas_call(
        _xw_body,
        grid=(grid,),
        in_specs=[
            pl.BlockSpec((BR, D), lambda i: (i, 0)),
            pl.BlockSpec((D, F), lambda i: (0, 0)),
            pl.BlockSpec((D, F), lambda i: (0, 0)),
        ],
        out_specs=pl.BlockSpec((BR, 2 * F), lambda i: (i, 0)),
        out_shape=jax.ShapeDtypeStruct((N, 2 * F), jnp.float32),
    )(x, wz0, wh0)


def _fused_body(p_ref, sa_ref, sb_ref, deg_ref, wz_ref, wh_ref,
                bz_ref, bh_ref, wl_ref, bl_ref, out_ref):
    deg = deg_ref[:, 0:1] + deg_ref[:, L:L + 1]
    ndinv = jnp.where(deg > 0.0, -lax.rsqrt(deg), 0.0)
    t = jnp.concatenate([ndinv * sa_ref[...], ndinv * sb_ref[...]], axis=1)
    az = (p_ref[:, :F] + bz_ref[...]
          + jnp.dot(t, wz_ref[...], preferred_element_type=jnp.float32))
    ah = (p_ref[:, F:] + bh_ref[...]
          + jnp.dot(t, wh_ref[...], preferred_element_type=jnp.float32))
    h = jnp.maximum((1.0 - jax.nn.sigmoid(az)) * jnp.tanh(ah), 0.0)
    out_ref[...] = (jnp.sum(h * wl_ref[...], axis=1, keepdims=True)
                    + bl_ref[...])


def _fused_dense(p, sa, sb, degn, wz1, wh1, bz, bh, wlt, bl2):
    BR = 1000
    grid = N // BR
    row = lambda i: (i, 0)
    full = lambda i: (0, 0)
    return pl.pallas_call(
        _fused_body,
        grid=(grid,),
        in_specs=[
            pl.BlockSpec((BR, 2 * F), row),
            pl.BlockSpec((BR, HD), row),
            pl.BlockSpec((BR, HD), row),
            pl.BlockSpec((BR, NC * L), row),
            pl.BlockSpec((D, F), full),
            pl.BlockSpec((D, F), full),
            pl.BlockSpec((1, F), full),
            pl.BlockSpec((1, F), full),
            pl.BlockSpec((1, F), full),
            pl.BlockSpec((1, 1), full),
        ],
        out_specs=pl.BlockSpec((BR, 1), row),
        out_shape=jax.ShapeDtypeStruct((N, 1), jnp.float32),
    )(p, sa, sb, degn, wz1, wh1, bz, bh, wlt, bl2)


def kernel(x, edge_index, Wxz0, Wxz1, bxz, Whz0, Whz1, bhz, Wxr0, Wxr1, bxr,
           Whr0, Whr1, bhr, Wxh0, Wxh1, bxh, Whh0, Whh1, bhh, Wl, bl):
    row = edge_index[0]
    col = edge_index[1]
    pad = jnp.zeros((EP - E,), jnp.int32)
    row2 = jnp.concatenate([row, pad]).reshape(ROWS_ALL, CH)
    col2 = jnp.concatenate([col, pad]).reshape(ROWS_ALL, CH)

    colp2, deg2 = _deg_kernel(row2, col2)
    degn = lax.slice(deg2, (0, 0), (N, NC * L))

    xtab = _scale_x(x, degn)

    p = _xw_dense(x, Wxz0, Wxh0)

    s2 = _scatter_kernel(row2.reshape(EP // CH2, CH2),
                         colp2.reshape(EP // CH2, CH2),
                         xtab)
    sa = lax.slice(s2, (0, 0), (N, HD))
    sb = lax.slice(s2, (SROWS, 0), (SROWS + N, HD))

    return _fused_dense(p, sa, sb, degn, Wxz1, Wxh1,
                        (bxz + bhz).reshape(1, F), (bxh + bhh).reshape(1, F),
                        Wl.reshape(1, F), bl.reshape(1, 1))

# --- scband reference (transcript-rebuilt; emitter-appended) ---
"""Pipeline reference for scband-recurrent-gcn-4655744549440 (READ-ONLY COPY).

The authoritative reference and input builder live on the scoring server;
editing this copy changes nothing except your own understanding.
"""

import jax, jax.numpy as jnp
import numpy as np

N, D, F, E = 10000, 256, 256, 160000

def setup_inputs(seed: int = 0):
    key = jax.random.key(seed)
    ks = jax.random.split(key, 24)
    inp = {}
    inp["x"] = jax.random.normal(ks[0], (N, D), dtype=jnp.float32)
    inp["edge_index"] = jax.random.randint(ks[1], (2, E), 0, N, dtype=jnp.int32)
    i = 2
    for g in ["z", "r", "h"]:
        for src, din in [("x", D), ("h", F)]:
            inp["W" + src + g + "0"] = 0.05 * jax.random.normal(ks[i], (din, F), dtype=jnp.float32); i += 1
            inp["W" + src + g + "1"] = 0.05 * jax.random.normal(ks[i], (din, F), dtype=jnp.float32); i += 1
            inp["b" + src + g] = jnp.zeros((F,), dtype=jnp.float32)
    inp["Wl"] = 0.05 * jax.random.normal(ks[i], (F, 1), dtype=jnp.float32); i += 1
    inp["bl"] = jnp.zeros((1,), dtype=jnp.float32)
    return inp

def _edge_norm(row, col, n):
    # ChebConv sym normalization with lambda_max=2.0 and K=2:
    # L_hat = -D^{-1/2} A D^{-1/2} (self loops removed -> zero diagonal)
    mask = (row != col).astype(jnp.float32)
    deg = jnp.zeros((n,), jnp.float32).at[row].add(mask)
    dinv = jnp.where(deg > 0, 1.0 / jnp.sqrt(deg), 0.0)
    return -dinv[row] * dinv[col] * mask

def _cheb(x, row, col, w, W0, W1, b, n):
    # K=2 Chebyshev conv: T0(Lhat) x = x, T1(Lhat) x = Lhat @ x
    tx1 = jnp.zeros((n, x.shape[1]), x.dtype).at[col].add(w[:, None] * x[row])
    return x @ W0 + tx1 @ W1 + b

def reference(x, edge_index, Wxz0, Wxz1, bxz, Whz0, Whz1, bhz, Wxr0, Wxr1, bxr, Whr0, Whr1, bhr, Wxh0, Wxh1, bxh, Whh0, Whh1, bhh, Wl, bl):
    n = x.shape[0]
    row, col = edge_index[0], edge_index[1]
    w = _edge_norm(row, col, n)
    H = jnp.zeros((n, F), x.dtype)
    Z = jax.nn.sigmoid(_cheb(x, row, col, w, Wxz0, Wxz1, bxz, n) + _cheb(H, row, col, w, Whz0, Whz1, bhz, n))
    R = jax.nn.sigmoid(_cheb(x, row, col, w, Wxr0, Wxr1, bxr, n) + _cheb(H, row, col, w, Whr0, Whr1, bhr, n))
    Ht = jnp.tanh(_cheb(x, row, col, w, Wxh0, Wxh1, bxh, n) + _cheb(R * H, row, col, w, Whh0, Whh1, bhh, n))
    Hn = Z * H + (1.0 - Z) * Ht
    h = jax.nn.relu(Hn)
    return h @ Wl + bl

if __name__ == "__main__":
    import jax
    _d = setup_inputs()
    print(jax.jit(kernel)(*tuple(_d.values())))

</pallas_src>

<mosaic_0001>
#map = affine_map<(d0, d1) -> (0, 0)>
module attributes {stable_mosaic.version = 14 : i64} {
  func.func @_deg_body(%arg0: i32, %arg1: i32, %arg2: memref<1280x128xi32, #tpu.memory_space<hbm>>, %arg3: memref<1280x128xi32, #tpu.memory_space<hbm>>, %arg4: memref<1280x128xi32, #tpu.memory_space<hbm>>, %arg5: memref<10240x32xf32, #tpu.memory_space<hbm>>, %arg6: memref<40x128xi32, #tpu.memory_space<vmem>>, %arg7: memref<40x128xi32, #tpu.memory_space<vmem>>, %arg8: memref<40x128xi32, #tpu.memory_space<vmem>>, %arg9: memref<128x16xf32, #tpu.memory_space<vmem>>, %arg10: memref<640x16xf32, #tpu.memory_space<vmem>>, %arg11: memref<10240x16xf32, #tpu.memory_space<vmem_shared>>) attributes {dimension_semantics = [#tpu.dimension_semantics<core_parallel>, #tpu.dimension_semantics<subcore_parallel>], iteration_bounds = array<i64: 2, 16>, scalar_prefetch = 0 : i64, scratch_operands = 6 : i64, tpu.core_type = #tpu.core_type<sc_vector_subcore>, window_params = [{transform_indices = #map}, {transform_indices = #map}, {transform_indices = #map}, {transform_indices = #map}]} {
    %mul3A = arith.constant 2 : i32
    %mul3A_0 = arith.muli %arg1, %mul3A : i32
    %add3A = arith.addi %mul3A_0, %arg0 : i32
    %scan3A = arith.constant 0 : i32
    %scan3A_1 = arith.constant 0 : i32
    %scan3A_2 = arith.constant 128 : i32
    %scan3A_3 = arith.addi %scan3A_1, %scan3A_2 : i32
    %scan3A_4 = arith.constant 1 : i32
    %scan3A_5 = scf.for %scan3A_39 = %scan3A_1 to %scan3A_3 step %scan3A_4 iter_args(%scan3A_40 = %scan3A) -> (i32)  : i32 {
      %broadcast_in_dim3A = arith.constant 1.000000e+00 : f32
      %broadcast_in_dim3A_41 = vector.broadcast %broadcast_in_dim3A : f32 to vector<16xf32>
      %swap3A = arith.index_cast %scan3A_39 : i32 to index
      %swap3A_42 = arith.constant 0 : index
      %swap3A_43 = tpu.vector_load %arg9[%swap3A, %swap3A_42] {strides = array<i32>} : memref<128x16xf32, #tpu.memory_space<vmem>>, vector<1x16xf32>,
      %swap3A_44 = vector.shape_cast %swap3A_43 : vector<1x16xf32> to vector<16xf32>
      %swap3A_45 = vector.shape_cast %broadcast_in_dim3A_41 : vector<16xf32> to vector<1x16xf32>
      tpu.vector_store %arg9[%swap3A, %swap3A_42], %swap3A_45 {strides = array<i32>} : memref<128x16xf32, #tpu.memory_space<vmem>>, vector<1x16xf32>,
      %scan3A_46 = arith.constant 0 : i32
      scf.yield %scan3A_46 : i32
    }
    %scan3A_6 = arith.constant 128 : i32
    %scan3A_7 = arith.constant 0 : i32
    %scan3A_8 = arith.constant 0 : i32
    %scan3A_9 = arith.constant 640 : i32
    %scan3A_10 = arith.addi %scan3A_8, %scan3A_9 : i32
    %scan3A_11 = arith.constant 1 : i32
    %scan3A_12 = scf.for %scan3A_39 = %scan3A_8 to %scan3A_10 step %scan3A_11 iter_args(%scan3A_40 = %scan3A_7) -> (i32)  : i32 {
      %broadcast_in_dim3A = arith.constant 0.000000e+00 : f32
      %broadcast_in_dim3A_41 = vector.broadcast %broadcast_in_dim3A : f32 to vector<16xf32>
      %swap3A = arith.index_cast %scan3A_39 : i32 to index
      %swap3A_42 = arith.constant 0 : index
      %swap3A_43 = tpu.vector_load %arg10[%swap3A, %swap3A_42] {strides = array<i32>} : memref<640x16xf32, #tpu.memory_space<vmem>>, vector<1x16xf32>,
      %swap3A_44 = vector.shape_cast %swap3A_43 : vector<1x16xf32> to vector<16xf32>
      %swap3A_45 = vector.shape_cast %broadcast_in_dim3A_41 : vector<16xf32> to vector<1x16xf32>
      tpu.vector_store %arg10[%swap3A, %swap3A_42], %swap3A_45 {strides = array<i32>} : memref<640x16xf32, #tpu.memory_space<vmem>>, vector<1x16xf32>,
      %scan3A_46 = arith.constant 0 : i32
      scf.yield %scan3A_46 : i32
    }
    %scan3A_13 = arith.constant 640 : i32
    %mul3A_14 = arith.constant 640 : i32
    %mul3A_15 = arith.muli %arg1, %mul3A_14 : i32
    "tpu.region"() ({
      %run_scoped3A = tpu.sem_alloc : memref<!tpu.dma_semaphore, #tpu.memory_space<semaphore_mem>>
      %dma_start3A = arith.constant 0 : i32
      %dma_start3A_39 = tpu.memref_slice %arg11[%mul3A_15, %dma_start3A] : memref<10240x16xf32, #tpu.memory_space<vmem_shared>> -> memref<640x16xf32, #tpu.memory_space<vmem_shared>>
      %dma_start3A_40 = arith.constant 0 : i32
      %dma_start3A_41 = tpu.memref_slice %arg11[%mul3A_15, %dma_start3A_40] : memref<10240x16xf32, #tpu.memory_space<vmem_shared>> -> memref<640x16xf32, #tpu.memory_space<vmem_shared>>
      tpu.enqueue_dma source(%arg10 : memref<640x16xf32, #tpu.memory_space<vmem>>) target(%dma_start3A_41 : memref<640x16xf32, #tpu.memory_space<vmem_shared>>) target_semaphore(%run_scoped3A : memref<!tpu.dma_semaphore, #tpu.memory_space<semaphore_mem>>)
      %dma_wait3A = arith.constant 0 : i32
      %dma_wait3A_42 = tpu.memref_slice %arg11[%mul3A_15, %dma_wait3A] : memref<10240x16xf32, #tpu.memory_space<vmem_shared>> -> memref<640x16xf32, #tpu.memory_space<vmem_shared>>
      %dma_wait3A_43 = arith.constant 0 : i32
      %dma_wait3A_44 = tpu.memref_slice %arg11[%mul3A_15, %dma_wait3A_43] : memref<10240x16xf32, #tpu.memory_space<vmem_shared>> -> memref<640x16xf32, #tpu.memory_space<vmem_shared>>
      tpu.wait_dma2 semaphore(%run_scoped3A : memref<!tpu.dma_semaphore, #tpu.memory_space<semaphore_mem>>) src(%arg10 : memref<640x16xf32, #tpu.memory_space<vmem>>) dst(%dma_wait3A_44 : memref<640x16xf32, #tpu.memory_space<vmem_shared>>)
      tpu.yield
    }) : () -> ()
    %barrier3A = arith.constant 0 : index
    tpu.barrier barrier_id(%barrier3A)
    %mul3A_16 = arith.constant 40 : i32
    %mul3A_17 = arith.muli %add3A, %mul3A_16 : i32
    "tpu.region"() ({
      %run_scoped3A = tpu.sem_alloc : memref<!tpu.dma_semaphore, #tpu.memory_space<semaphore_mem>>
      %dma_start3A = arith.constant 0 : i32
      %dma_start3A_39 = tpu.memref_slice %arg2[%mul3A_17, %dma_start3A] : memref<1280x128xi32, #tpu.memory_space<hbm>> -> memref<40x128xi32, #tpu.memory_space<hbm>>
      %dma_start3A_40 = arith.constant 0 : i32
      %dma_start3A_41 = tpu.memref_slice %arg2[%mul3A_17, %dma_start3A_40] : memref<1280x128xi32, #tpu.memory_space<hbm>> -> memref<40x128xi32, #tpu.memory_space<hbm>>
      tpu.enqueue_dma source(%dma_start3A_41 : memref<40x128xi32, #tpu.memory_space<hbm>>) target(%arg6 : memref<40x128xi32, #tpu.memory_space<vmem>>) target_semaphore(%run_scoped3A : memref<!tpu.dma_semaphore, #tpu.memory_space<semaphore_mem>>)
      %dma_wait3A = arith.constant 0 : i32
      %dma_wait3A_42 = tpu.memref_slice %arg2[%mul3A_17, %dma_wait3A] : memref<1280x128xi32, #tpu.memory_space<hbm>> -> memref<40x128xi32, #tpu.memory_space<hbm>>
      %dma_wait3A_43 = arith.constant 0 : i32
      %dma_wait3A_44 = tpu.memref_slice %arg2[%mul3A_17, %dma_wait3A_43] : memref<1280x128xi32, #tpu.memory_space<hbm>> -> memref<40x128xi32, #tpu.memory_space<hbm>>
      tpu.wait_dma2 semaphore(%run_scoped3A : memref<!tpu.dma_semaphore, #tpu.memory_space<semaphore_mem>>) src(%dma_wait3A_44 : memref<40x128xi32, #tpu.memory_space<hbm>>) dst(%arg6 : memref<40x128xi32, #tpu.memory_space<vmem>>)
      tpu.yield
    }) : () -> ()
    "tpu.region"() ({
      %run_scoped3A = tpu.sem_alloc : memref<!tpu.dma_semaphore, #tpu.memory_space<semaphore_mem>>
      %dma_start3A = arith.constant 0 : i32
      %dma_start3A_39 = tpu.memref_slice %arg3[%mul3A_17, %dma_start3A] : memref<1280x128xi32, #tpu.memory_space<hbm>> -> memref<40x128xi32, #tpu.memory_space<hbm>>
      %dma_start3A_40 = arith.constant 0 : i32
      %dma_start3A_41 = tpu.memref_slice %arg3[%mul3A_17, %dma_start3A_40] : memref<1280x128xi32, #tpu.memory_space<hbm>> -> memref<40x128xi32, #tpu.memory_space<hbm>>
      tpu.enqueue_dma source(%dma_start3A_41 : memref<40x128xi32, #tpu.memory_space<hbm>>) target(%arg7 : memref<40x128xi32, #tpu.memory_space<vmem>>) target_semaphore(%run_scoped3A : memref<!tpu.dma_semaphore, #tpu.memory_space<semaphore_mem>>)
      %dma_wait3A = arith.constant 0 : i32
      %dma_wait3A_42 = tpu.memref_slice %arg3[%mul3A_17, %dma_wait3A] : memref<1280x128xi32, #tpu.memory_space<hbm>> -> memref<40x128xi32, #tpu.memory_space<hbm>>
      %dma_wait3A_43 = arith.constant 0 : i32
      %dma_wait3A_44 = tpu.memref_slice %arg3[%mul3A_17, %dma_wait3A_43] : memref<1280x128xi32, #tpu.memory_space<hbm>> -> memref<40x128xi32, #tpu.memory_space<hbm>>
      tpu.wait_dma2 semaphore(%run_scoped3A : memref<!tpu.dma_semaphore, #tpu.memory_space<semaphore_mem>>) src(%dma_wait3A_44 : memref<40x128xi32, #tpu.memory_space<hbm>>) dst(%arg7 : memref<40x128xi32, #tpu.memory_space<vmem>>)
      tpu.yield
    }) : () -> ()
    %scan3A_18 = arith.constant 0 : i32
    %scan3A_19 = arith.constant 0 : i32
    %scan3A_20 = arith.constant 320 : i32
    %scan3A_21 = arith.addi %scan3A_19, %scan3A_20 : i32
    %scan3A_22 = arith.constant 1 : i32
    %scan3A_23 = scf.for %scan3A_39 = %scan3A_19 to %scan3A_21 step %scan3A_22 iter_args(%scan3A_40 = %scan3A_18) -> (i32)  : i32 {
      %jit3A = arith.constant 8 : i32
      %div3A = arith.divsi %scan3A_39, %jit3A : i32
      %sign3A = arith.constant 0 : i32
      %sign3A_41 = arith.cmpi sgt, %scan3A_39, %sign3A : i32
      %sign3A_42 = arith.extui %sign3A_41 : i1 to i32
      %sign3A_43 = arith.constant 0 : i32
      %sign3A_44 = arith.cmpi slt, %scan3A_39, %sign3A_43 : i32
      %sign3A_45 = arith.extui %sign3A_44 : i1 to i32
      %sign3A_46 = arith.subi %sign3A_42, %sign3A_45 : i32
      %sign3A_47 = arith.constant 0 : i32
      %sign3A_48 = arith.cmpi sgt, %jit3A, %sign3A_47 : i32
      %sign3A_49 = arith.extui %sign3A_48 : i1 to i32
      %sign3A_50 = arith.constant 0 : i32
      %sign3A_51 = arith.cmpi slt, %jit3A, %sign3A_50 : i32
      %sign3A_52 = arith.extui %sign3A_51 : i1 to i32
      %sign3A_53 = arith.subi %sign3A_49, %sign3A_52 : i32
      %ne3A = arith.cmpi ne, %sign3A_46, %sign3A_53 : i32
      %rem3A = arith.remsi %scan3A_39, %jit3A : i32
      %ne3A_54 = arith.constant 0 : i32
      %ne3A_55 = arith.cmpi ne, %rem3A, %ne3A_54 : i32
      %and3A = arith.andi %ne3A, %ne3A_55 : i1
      %sub3A = arith.constant 1 : i32
      %sub3A_56 = arith.subi %div3A, %sub3A : i32
      %select_n3A = arith.select %and3A, %sub3A_56, %div3A : i32
      %jit3A_57 = arith.constant 8 : i32
      %eq3A = arith.constant 0 : i32
      %eq3A_58 = arith.cmpi eq, %jit3A_57, %eq3A : i32
      %jit3A_59 = arith.constant 1 : i32
      %select_n3A_60 = arith.select %eq3A_58, %jit3A_59, %jit3A_57 : i32
      %rem3A_61 = arith.remsi %scan3A_39, %select_n3A_60 : i32
      %ne3A_62 = arith.constant 0 : i32
      %ne3A_63 = arith.cmpi ne, %rem3A_61, %ne3A_62 : i32
      %lt3A = arith.constant 0 : i32
      %lt3A_64 = arith.cmpi slt, %rem3A_61, %lt3A : i32
      %lt3A_65 = arith.constant 0 : i32
      %lt3A_66 = arith.cmpi slt, %select_n3A_60, %lt3A_65 : i32
      %ne3A_67 = arith.xori %lt3A_64, %lt3A_66 : i1
      %and3A_68 = arith.andi %ne3A_67, %ne3A_63 : i1
      %add3A_69 = arith.addi %rem3A_61, %select_n3A_60 : i32
      %select_n3A_70 = arith.select %and3A_68, %add3A_69, %rem3A_61 : i32
      %mul3A_71 = arith.constant 16 : i32
      %mul3A_72 = arith.muli %select_n3A_70, %mul3A_71 : i32
      %get3A = arith.index_cast %select_n3A : i32 to index
      %get3A_73 = arith.index_cast %mul3A_72 : i32 to index
      %get3A_74 = tpu.vector_load %arg6[%get3A, %get3A_73] {strides = array<i32>} : memref<40x128xi32, #tpu.memory_space<vmem>>, vector<1x16xi32>,
      %get3A_75 = vector.shape_cast %get3A_74 : vector<1x16xi32> to vector<16xi32>
      %mul3A_76 = arith.constant 16 : i32
      %mul3A_77 = arith.muli %select_n3A_70, %mul3A_76 : i32
      %get3A_78 = arith.index_cast %select_n3A : i32 to index
      %get3A_79 = arith.index_cast %mul3A_77 : i32 to index
      %get3A_80 = tpu.vector_load %arg7[%get3A_78, %get3A_79] {strides = array<i32>} : memref<40x128xi32, #tpu.memory_space<vmem>>, vector<1x16xi32>,
      %get3A_81 = vector.shape_cast %get3A_80 : vector<1x16xi32> to vector<16xi32>
      %eq3A_82 = arith.cmpi eq, %get3A_75, %get3A_81 : vector<16xi32>
      %jit3A_83 = arith.constant 10000 : i32
      %broadcast_in_dim3A = vector.broadcast %jit3A_83 : i32 to vector<16xi32>
      %select_n3A_84 = arith.select %eq3A_82, %broadcast_in_dim3A, %get3A_75 : vector<16xi1>, vector<16xi32>
      %mul3A_85 = arith.constant 16 : i32
      %mul3A_86 = arith.muli %select_n3A_70, %mul3A_85 : i32
      %swap3A = arith.index_cast %select_n3A : i32 to index
      %swap3A_87 = arith.index_cast %mul3A_86 : i32 to index
      %swap3A_88 = tpu.vector_load %arg8[%swap3A, %swap3A_87] {strides = array<i32>} : memref<40x128xi32, #tpu.memory_space<vmem>>, vector<1x16xi32>,
      %swap3A_89 = vector.shape_cast %swap3A_88 : vector<1x16xi32> to vector<16xi32>
      %swap3A_90 = vector.shape_cast %select_n3A_84 : vector<16xi32> to vector<1x16xi32>
      tpu.vector_store %arg8[%swap3A, %swap3A_87], %swap3A_90 {strides = array<i32>} : memref<40x128xi32, #tpu.memory_space<vmem>>, vector<1x16xi32>,
      %jit3A_91 = arith.constant 10000 : i32
      %broadcast_in_dim3A_92 = vector.broadcast %jit3A_91 : i32 to vector<16xi32>
      %select_n3A_93 = arith.select %eq3A_82, %broadcast_in_dim3A_92, %get3A_81 : vector<16xi1>, vector<16xi32>
      %mul3A_94 = arith.constant 16 : i32
      %mul3A_95 = arith.muli %select_n3A_70, %mul3A_94 : i32
      %swap3A_96 = arith.index_cast %select_n3A : i32 to index
      %swap3A_97 = arith.index_cast %mul3A_95 : i32 to index
      %swap3A_98 = tpu.vector_load %arg7[%swap3A_96, %swap3A_97] {strides = array<i32>} : memref<40x128xi32, #tpu.memory_space<vmem>>, vector<1x16xi32>,
      %swap3A_99 = vector.shape_cast %swap3A_98 : vector<1x16xi32> to vector<16xi32>
      %swap3A_100 = vector.shape_cast %select_n3A_93 : vector<16xi32> to vector<1x16xi32>
      tpu.vector_store %arg7[%swap3A_96, %swap3A_97], %swap3A_100 {strides = array<i32>} : memref<40x128xi32, #tpu.memory_space<vmem>>, vector<1x16xi32>,
      %scan3A_101 = arith.constant 0 : i32
      scf.yield %scan3A_101 : i32
    }
    %scan3A_24 = arith.constant 320 : i32
    %scan3A_25 = arith.constant 0 : i32
    %scan3A_26 = arith.constant 0 : i32
    %scan3A_27 = arith.constant 40 : i32
    %scan3A_28 = arith.addi %scan3A_26, %scan3A_27 : i32
    %scan3A_29 = arith.constant 1 : i32
    %scan3A_30 = scf.for %scan3A_39 = %scan3A_26 to %scan3A_28 step %scan3A_29 iter_args(%scan3A_40 = %scan3A_25) -> (i32)  : i32 {
      "tpu.region"() ({
        %run_scoped3A = tpu.sem_alloc : memref<!tpu.dma_semaphore, #tpu.memory_space<semaphore_mem>>
        %dma_start3A = arith.constant 0 : i32
        %dma_start3A_42 = tpu.memref_slice %arg8[%scan3A_39, %dma_start3A] : memref<40x128xi32, #tpu.memory_space<vmem>> -> memref<1x128xi32, #tpu.memory_space<vmem>>
        %dma_start3A_43 = tpu.memref_squeeze %dma_start3A_42 : memref<1x128xi32, #tpu.memory_space<vmem>> -> memref<128xi32, #tpu.memory_space<vmem>>
        %dma_start3A_44 = arith.constant 0 : i32
        %dma_start3A_45 = arith.constant 0 : i32
        %dma_start3A_46 = tpu.memref_slice %arg11[%dma_start3A_44, %dma_start3A_45] : memref<10240x16xf32, #tpu.memory_space<vmem_shared>> -> memref<10240x16xf32, #tpu.memory_space<vmem_shared>>
        tpu.enqueue_indirect_dma source(%arg9 : memref<128x16xf32, #tpu.memory_space<vmem>>) target(%dma_start3A_46 : memref<10240x16xf32, #tpu.memory_space<vmem_shared>>) offsets(%dma_start3A_43 : memref<128xi32, #tpu.memory_space<vmem>>) semaphore(%run_scoped3A : memref<!tpu.dma_semaphore, #tpu.memory_space<semaphore_mem>>) {add = true}
        %dma_wait3A = arith.constant 0 : i32
        %dma_wait3A_47 = tpu.memref_slice %arg8[%scan3A_39, %dma_wait3A] : memref<40x128xi32, #tpu.memory_space<vmem>> -> memref<1x128xi32, #tpu.memory_space<vmem>>
        %dma_wait3A_48 = tpu.memref_squeeze %dma_wait3A_47 : memref<1x128xi32, #tpu.memory_space<vmem>> -> memref<128xi32, #tpu.memory_space<vmem>>
        %dma_wait3A_49 = arith.constant 0 : i32
        %dma_wait3A_50 = arith.constant 0 : i32
        %dma_wait3A_51 = tpu.memref_slice %arg11[%dma_wait3A_49, %dma_wait3A_50] : memref<10240x16xf32, #tpu.memory_space<vmem_shared>> -> memref<10240x16xf32, #tpu.memory_space<vmem_shared>>
        tpu.wait_indirect_dma semaphore(%run_scoped3A : memref<!tpu.dma_semaphore, #tpu.memory_space<semaphore_mem>>) src(%arg9 : memref<128x16xf32, #tpu.memory_space<vmem>>) dst(%dma_wait3A_51 : memref<10240x16xf32, #tpu.memory_space<vmem_shared>>)
        tpu.yield
      }) : () -> ()
      %scan3A_41 = arith.constant 0 : i32
      scf.yield %scan3A_41 : i32
    }
    %scan3A_31 = arith.constant 40 : i32
    "tpu.region"() ({
      %run_scoped3A = tpu.sem_alloc : memref<!tpu.dma_semaphore, #tpu.memory_space<semaphore_mem>>
      %dma_start3A = arith.constant 0 : i32
      %dma_start3A_39 = tpu.memref_slice %arg4[%mul3A_17, %dma_start3A] : memref<1280x128xi32, #tpu.memory_space<hbm>> -> memref<40x128xi32, #tpu.memory_space<hbm>>
      %dma_start3A_40 = arith.constant 0 : i32
      %dma_start3A_41 = tpu.memref_slice %arg4[%mul3A_17, %dma_start3A_40] : memref<1280x128xi32, #tpu.memory_space<hbm>> -> memref<40x128xi32, #tpu.memory_space<hbm>>
      tpu.enqueue_dma source(%arg7 : memref<40x128xi32, #tpu.memory_space<vmem>>) target(%dma_start3A_41 : memref<40x128xi32, #tpu.memory_space<hbm>>) target_semaphore(%run_scoped3A : memref<!tpu.dma_semaphore, #tpu.memory_space<semaphore_mem>>)
      %dma_wait3A = arith.constant 0 : i32
      %dma_wait3A_42 = tpu.memref_slice %arg4[%mul3A_17, %dma_wait3A] : memref<1280x128xi32, #tpu.memory_space<hbm>> -> memref<40x128xi32, #tpu.memory_space<hbm>>
      %dma_wait3A_43 = arith.constant 0 : i32
      %dma_wait3A_44 = tpu.memref_slice %arg4[%mul3A_17, %dma_wait3A_43] : memref<1280x128xi32, #tpu.memory_space<hbm>> -> memref<40x128xi32, #tpu.memory_space<hbm>>
      tpu.wait_dma2 semaphore(%run_scoped3A : memref<!tpu.dma_semaphore, #tpu.memory_space<semaphore_mem>>) src(%arg7 : memref<40x128xi32, #tpu.memory_space<vmem>>) dst(%dma_wait3A_44 : memref<40x128xi32, #tpu.memory_space<hbm>>)
      tpu.yield
    }) : () -> ()
    %barrier3A_32 = arith.constant 0 : index
    tpu.barrier barrier_id(%barrier3A_32)
    %mul3A_33 = arith.constant 640 : i32
    %mul3A_34 = arith.muli %arg1, %mul3A_33 : i32
    %mul3A_35 = arith.constant 640 : i32
    %mul3A_36 = arith.muli %arg1, %mul3A_35 : i32
    %mul3A_37 = arith.constant 16 : i32
    %mul3A_38 = arith.muli %arg0, %mul3A_37 : i32
    "tpu.region"() ({
      %run_scoped3A = tpu.sem_alloc : memref<!tpu.dma_semaphore, #tpu.memory_space<semaphore_mem>>
      %dma_start3A = tpu.memref_slice %arg5[%mul3A_36, %mul3A_38] : memref<10240x32xf32, #tpu.memory_space<hbm>> -> memref<640x16xf32, #tpu.memory_space<hbm>>
      %dma_start3A_39 = arith.constant 0 : i32
      %dma_start3A_40 = tpu.memref_slice %arg11[%mul3A_34, %dma_start3A_39] : memref<10240x16xf32, #tpu.memory_space<vmem_shared>> -> memref<640x16xf32, #tpu.memory_space<vmem_shared>>
      tpu.enqueue_dma source(%dma_start3A_40 : memref<640x16xf32, #tpu.memory_space<vmem_shared>>) target(%dma_start3A : memref<640x16xf32, #tpu.memory_space<hbm>>) target_semaphore(%run_scoped3A : memref<!tpu.dma_semaphore, #tpu.memory_space<semaphore_mem>>)
      %dma_wait3A = tpu.memref_slice %arg5[%mul3A_36, %mul3A_38] : memref<10240x32xf32, #tpu.memory_space<hbm>> -> memref<640x16xf32, #tpu.memory_space<hbm>>
      %dma_wait3A_41 = arith.constant 0 : i32
      %dma_wait3A_42 = tpu.memref_slice %arg11[%mul3A_34, %dma_wait3A_41] : memref<10240x16xf32, #tpu.memory_space<vmem_shared>> -> memref<640x16xf32, #tpu.memory_space<vmem_shared>>
      tpu.wait_dma2 semaphore(%run_scoped3A : memref<!tpu.dma_semaphore, #tpu.memory_space<semaphore_mem>>) src(%dma_wait3A_42 : memref<640x16xf32, #tpu.memory_space<vmem_shared>>) dst(%dma_wait3A : memref<640x16xf32, #tpu.memory_space<hbm>>)
      tpu.yield
    }) : () -> ()
    return
  }
}

#map = affine_map<(d0, d1) -> (0, 0)>
module attributes {stable_mosaic.version = 14 : i64} {
  func.func @_scatter_body(%arg0: i32, %arg1: i32, %arg2: memref<2560x64xi32, #tpu.memory_space<hbm>>, %arg3: memref<2560x64xi32, #tpu.memory_space<hbm>>, %arg4: memref<20000x128xf32, #tpu.memory_space<hbm>>, %arg5: memref<20480x128xf32, #tpu.memory_space<hbm>>, %arg6: memref<80x64xi32, #tpu.memory_space<vmem>>, %arg7: memref<80x64xi32, #tpu.memory_space<vmem>>, %arg8: memref<64x128xf32, #tpu.memory_space<vmem>>, %arg9: memref<64x128xf32, #tpu.memory_space<vmem>>, %arg10: memref<64x128xf32, #tpu.memory_space<vmem>>, %arg11: memref<64x128xf32, #tpu.memory_space<vmem>>, %arg12: memref<16x128xf32, #tpu.memory_space<vmem>>, %arg13: memref<10240x128xf32, #tpu.memory_space<vmem_shared>>, %arg14: memref<!tpu.dma_semaphore, #tpu.memory_space<semaphore_mem>>, %arg15: memref<!tpu.dma_semaphore, #tpu.memory_space<semaphore_mem>>, %arg16: memref<!tpu.dma_semaphore, #tpu.memory_space<semaphore_mem>>, %arg17: memref<!tpu.dma_semaphore, #tpu.memory_space<semaphore_mem>>) attributes {dimension_semantics = [#tpu.dimension_semantics<core_parallel>, #tpu.dimension_semantics<subcore_parallel>], iteration_bounds = array<i64: 2, 16>, scalar_prefetch = 0 : i64, scratch_operands = 12 : i64, tpu.core_type = #tpu.core_type<sc_vector_subcore>, window_params = [{transform_indices = #map}, {transform_indices = #map}, {transform_indices = #map}, {transform_indices = #map}]} {
    %scan3A = arith.constant 0 : i32
    %scan3A_0 = arith.constant 0 : i32
    %scan3A_1 = arith.constant 128 : i32
    %scan3A_2 = arith.addi %scan3A_0, %scan3A_1 : i32
    %scan3A_3 = arith.constant 1 : i32
    %scan3A_4 = scf.for %scan3A_178 = %scan3A_0 to %scan3A_2 step %scan3A_3 iter_args(%scan3A_179 = %scan3A) -> (i32)  : i32 {
      %jit3A = arith.constant 8 : i32
      %div3A = arith.divsi %scan3A_178, %jit3A : i32
      %sign3A = arith.constant 0 : i32
      %sign3A_180 = arith.cmpi sgt, %scan3A_178, %sign3A : i32
      %sign3A_181 = arith.extui %sign3A_180 : i1 to i32
      %sign3A_182 = arith.constant 0 : i32
      %sign3A_183 = arith.cmpi slt, %scan3A_178, %sign3A_182 : i32
      %sign3A_184 = arith.extui %sign3A_183 : i1 to i32
      %sign3A_185 = arith.subi %sign3A_181, %sign3A_184 : i32
      %sign3A_186 = arith.constant 0 : i32
      %sign3A_187 = arith.cmpi sgt, %jit3A, %sign3A_186 : i32
      %sign3A_188 = arith.extui %sign3A_187 : i1 to i32
      %sign3A_189 = arith.constant 0 : i32
      %sign3A_190 = arith.cmpi slt, %jit3A, %sign3A_189 : i32
      %sign3A_191 = arith.extui %sign3A_190 : i1 to i32
      %sign3A_192 = arith.subi %sign3A_188, %sign3A_191 : i32
      %ne3A = arith.cmpi ne, %sign3A_185, %sign3A_192 : i32
      %rem3A = arith.remsi %scan3A_178, %jit3A : i32
      %ne3A_193 = arith.constant 0 : i32
      %ne3A_194 = arith.cmpi ne, %rem3A, %ne3A_193 : i32
      %and3A = arith.andi %ne3A, %ne3A_194 : i1
      %sub3A = arith.constant 1 : i32
      %sub3A_195 = arith.subi %div3A, %sub3A : i32
      %select_n3A = arith.select %and3A, %sub3A_195, %div3A : i32
      %jit3A_196 = arith.constant 8 : i32
      %eq3A = arith.constant 0 : i32
      %eq3A_197 = arith.cmpi eq, %jit3A_196, %eq3A : i32
      %jit3A_198 = arith.constant 1 : i32
      %select_n3A_199 = arith.select %eq3A_197, %jit3A_198, %jit3A_196 : i32
      %rem3A_200 = arith.remsi %scan3A_178, %select_n3A_199 : i32
      %ne3A_201 = arith.constant 0 : i32
      %ne3A_202 = arith.cmpi ne, %rem3A_200, %ne3A_201 : i32
      %lt3A = arith.constant 0 : i32
      %lt3A_203 = arith.cmpi slt, %rem3A_200, %lt3A : i32
      %lt3A_204 = arith.constant 0 : i32
      %lt3A_205 = arith.cmpi slt, %select_n3A_199, %lt3A_204 : i32
      %ne3A_206 = arith.xori %lt3A_203, %lt3A_205 : i1
      %and3A_207 = arith.andi %ne3A_206, %ne3A_202 : i1
      %add3A_208 = arith.addi %rem3A_200, %select_n3A_199 : i32
      %select_n3A_209 = arith.select %and3A_207, %add3A_208, %rem3A_200 : i32
      %broadcast_in_dim3A = arith.constant 0.000000e+00 : f32
      %broadcast_in_dim3A_210 = vector.broadcast %broadcast_in_dim3A : f32 to vector<16xf32>
      %mul3A_211 = arith.constant 16 : i32
      %mul3A_212 = arith.muli %select_n3A_209, %mul3A_211 : i32
      %swap3A = arith.index_cast %select_n3A : i32 to index
      %swap3A_213 = arith.index_cast %mul3A_212 : i32 to index
      %swap3A_214 = tpu.vector_load %arg12[%swap3A, %swap3A_213] {strides = array<i32>} : memref<16x128xf32, #tpu.memory_space<vmem>>, vector<1x16xf32>,
      %swap3A_215 = vector.shape_cast %swap3A_214 : vector<1x16xf32> to vector<16xf32>
      %swap3A_216 = vector.shape_cast %broadcast_in_dim3A_210 : vector<16xf32> to vector<1x16xf32>
      tpu.vector_store %arg12[%swap3A, %swap3A_213], %swap3A_216 {strides = array<i32>} : memref<16x128xf32, #tpu.memory_space<vmem>>, vector<1x16xf32>,
      %scan3A_217 = arith.constant 0 : i32
      scf.yield %scan3A_217 : i32
    }
    %scan3A_5 = arith.constant 128 : i32
    %scan3A_6 = arith.constant 0 : i32
    %scan3A_7 = arith.constant 0 : i32
    %scan3A_8 = arith.constant 40 : i32
    %scan3A_9 = arith.addi %scan3A_7, %scan3A_8 : i32
    %scan3A_10 = arith.constant 1 : i32
    %scan3A_11 = scf.for %scan3A_178 = %scan3A_7 to %scan3A_9 step %scan3A_10 iter_args(%scan3A_179 = %scan3A_6) -> (i32)  : i32 {
      %mul3A_180 = arith.constant 640 : i32
      %mul3A_181 = arith.muli %arg1, %mul3A_180 : i32
      %mul3A_182 = arith.constant 16 : i32
      %mul3A_183 = arith.muli %scan3A_178, %mul3A_182 : i32
      %add3A_184 = arith.addi %mul3A_181, %mul3A_183 : i32
      "tpu.region"() ({
        %run_scoped3A_186 = tpu.sem_alloc : memref<!tpu.dma_semaphore, #tpu.memory_space<semaphore_mem>>
        %dma_start3A_187 = arith.constant 0 : i32
        %dma_start3A_188 = tpu.memref_slice %arg13[%add3A_184, %dma_start3A_187] : memref<10240x128xf32, #tpu.memory_space<vmem_shared>> -> memref<16x128xf32, #tpu.memory_space<vmem_shared>>
        %dma_start3A_189 = arith.constant 0 : i32
        %dma_start3A_190 = tpu.memref_slice %arg13[%add3A_184, %dma_start3A_189] : memref<10240x128xf32, #tpu.memory_space<vmem_shared>> -> memref<16x128xf32, #tpu.memory_space<vmem_shared>>
        tpu.enqueue_dma source(%arg12 : memref<16x128xf32, #tpu.memory_space<vmem>>) target(%dma_start3A_190 : memref<16x128xf32, #tpu.memory_space<vmem_shared>>) target_semaphore(%run_scoped3A_186 : memref<!tpu.dma_semaphore, #tpu.memory_space<semaphore_mem>>)
        %dma_wait3A_191 = arith.constant 0 : i32
        %dma_wait3A_192 = tpu.memref_slice %arg13[%add3A_184, %dma_wait3A_191] : memref<10240x128xf32, #tpu.memory_space<vmem_shared>> -> memref<16x128xf32, #tpu.memory_space<vmem_shared>>
        %dma_wait3A_193 = arith.constant 0 : i32
        %dma_wait3A_194 = tpu.memref_slice %arg13[%add3A_184, %dma_wait3A_193] : memref<10240x128xf32, #tpu.memory_space<vmem_shared>> -> memref<16x128xf32, #tpu.memory_space<vmem_shared>>
        tpu.wait_dma2 semaphore(%run_scoped3A_186 : memref<!tpu.dma_semaphore, #tpu.memory_space<semaphore_mem>>) src(%arg12 : memref<16x128xf32, #tpu.memory_space<vmem>>) dst(%dma_wait3A_194 : memref<16x128xf32, #tpu.memory_space<vmem_shared>>)
        tpu.yield
      }) : () -> ()
      %scan3A_185 = arith.constant 0 : i32
      scf.yield %scan3A_185 : i32
    }
    %scan3A_12 = arith.constant 40 : i32
    %mul3A = arith.constant 10000 : i32
    %mul3A_13 = arith.muli %arg0, %mul3A : i32
    %mul3A_14 = arith.constant 2 : i32
    %mul3A_15 = arith.muli %arg1, %mul3A_14 : i32
    %add3A = arith.constant 0 : i32
    %add3A_16 = arith.addi %mul3A_15, %add3A : i32
    %mul3A_17 = arith.constant 80 : i32
    %mul3A_18 = arith.muli %add3A_16, %mul3A_17 : i32
    "tpu.region"() ({
      %run_scoped3A_178 = tpu.sem_alloc : memref<!tpu.dma_semaphore, #tpu.memory_space<semaphore_mem>>
      %dma_start3A_179 = arith.constant 0 : i32
      %dma_start3A_180 = tpu.memref_slice %arg3[%mul3A_18, %dma_start3A_179] : memref<2560x64xi32, #tpu.memory_space<hbm>> -> memref<80x64xi32, #tpu.memory_space<hbm>>
      %dma_start3A_181 = arith.constant 0 : i32
      %dma_start3A_182 = tpu.memref_slice %arg3[%mul3A_18, %dma_start3A_181] : memref<2560x64xi32, #tpu.memory_space<hbm>> -> memref<80x64xi32, #tpu.memory_space<hbm>>
      tpu.enqueue_dma source(%dma_start3A_182 : memref<80x64xi32, #tpu.memory_space<hbm>>) target(%arg7 : memref<80x64xi32, #tpu.memory_space<vmem>>) target_semaphore(%run_scoped3A_178 : memref<!tpu.dma_semaphore, #tpu.memory_space<semaphore_mem>>)
      %dma_wait3A_183 = arith.constant 0 : i32
      %dma_wait3A_184 = tpu.memref_slice %arg3[%mul3A_18, %dma_wait3A_183] : memref<2560x64xi32, #tpu.memory_space<hbm>> -> memref<80x64xi32, #tpu.memory_space<hbm>>
      %dma_wait3A_185 = arith.constant 0 : i32
      %dma_wait3A_186 = tpu.memref_slice %arg3[%mul3A_18, %dma_wait3A_185] : memref<2560x64xi32, #tpu.memory_space<hbm>> -> memref<80x64xi32, #tpu.memory_space<hbm>>
      tpu.wait_dma2 semaphore(%run_scoped3A_178 : memref<!tpu.dma_semaphore, #tpu.memory_space<semaphore_mem>>) src(%dma_wait3A_186 : memref<80x64xi32, #tpu.memory_space<hbm>>) dst(%arg7 : memref<80x64xi32, #tpu.memory_space<vmem>>)
      tpu.yield
    }) : () -> ()
    "tpu.region"() ({
      %run_scoped3A_178 = tpu.sem_alloc : memref<!tpu.dma_semaphore, #tpu.memory_space<semaphore_mem>>
      %dma_start3A_179 = arith.constant 0 : i32
      %dma_start3A_180 = tpu.memref_slice %arg2[%mul3A_18, %dma_start3A_179] : memref<2560x64xi32, #tpu.memory_space<hbm>> -> memref<80x64xi32, #tpu.memory_space<hbm>>
      %dma_start3A_181 = arith.constant 0 : i32
      %dma_start3A_182 = tpu.memref_slice %arg2[%mul3A_18, %dma_start3A_181] : memref<2560x64xi32, #tpu.memory_space<hbm>> -> memref<80x64xi32, #tpu.memory_space<hbm>>
      tpu.enqueue_dma source(%dma_start3A_182 : memref<80x64xi32, #tpu.memory_space<hbm>>) target(%arg6 : memref<80x64xi32, #tpu.memory_space<vmem>>) target_semaphore(%run_scoped3A_178 : memref<!tpu.dma_semaphore, #tpu.memory_space<semaphore_mem>>)
      %dma_wait3A_183 = arith.constant 0 : i32
      %dma_wait3A_184 = tpu.memref_slice %arg2[%mul3A_18, %dma_wait3A_183] : memref<2560x64xi32, #tpu.memory_space<hbm>> -> memref<80x64xi32, #tpu.memory_space<hbm>>
      %dma_wait3A_185 = arith.constant 0 : i32
      %dma_wait3A_186 = tpu.memref_slice %arg2[%mul3A_18, %dma_wait3A_185] : memref<2560x64xi32, #tpu.memory_space<hbm>> -> memref<80x64xi32, #tpu.memory_space<hbm>>
      tpu.wait_dma2 semaphore(%run_scoped3A_178 : memref<!tpu.dma_semaphore, #tpu.memory_space<semaphore_mem>>) src(%dma_wait3A_186 : memref<80x64xi32, #tpu.memory_space<hbm>>) dst(%arg6 : memref<80x64xi32, #tpu.memory_space<vmem>>)
      tpu.yield
    }) : () -> ()
    %scan3A_19 = arith.constant 0 : i32
    %scan3A_20 = arith.constant 0 : i32
    %scan3A_21 = arith.constant 320 : i32
    %scan3A_22 = arith.addi %scan3A_20, %scan3A_21 : i32
    %scan3A_23 = arith.constant 1 : i32
    %scan3A_24 = scf.for %scan3A_178 = %scan3A_20 to %scan3A_22 step %scan3A_23 iter_args(%scan3A_179 = %scan3A_19) -> (i32)  : i32 {
      %jit3A = arith.constant 4 : i32
      %div3A = arith.divsi %scan3A_178, %jit3A : i32
      %sign3A = arith.constant 0 : i32
      %sign3A_180 = arith.cmpi sgt, %scan3A_178, %sign3A : i32
      %sign3A_181 = arith.extui %sign3A_180 : i1 to i32
      %sign3A_182 = arith.constant 0 : i32
      %sign3A_183 = arith.cmpi slt, %scan3A_178, %sign3A_182 : i32
      %sign3A_184 = arith.extui %sign3A_183 : i1 to i32
      %sign3A_185 = arith.subi %sign3A_181, %sign3A_184 : i32
      %sign3A_186 = arith.constant 0 : i32
      %sign3A_187 = arith.cmpi sgt, %jit3A, %sign3A_186 : i32
      %sign3A_188 = arith.extui %sign3A_187 : i1 to i32
      %sign3A_189 = arith.constant 0 : i32
      %sign3A_190 = arith.cmpi slt, %jit3A, %sign3A_189 : i32
      %sign3A_191 = arith.extui %sign3A_190 : i1 to i32
      %sign3A_192 = arith.subi %sign3A_188, %sign3A_191 : i32
      %ne3A = arith.cmpi ne, %sign3A_185, %sign3A_192 : i32
      %rem3A = arith.remsi %scan3A_178, %jit3A : i32
      %ne3A_193 = arith.constant 0 : i32
      %ne3A_194 = arith.cmpi ne, %rem3A, %ne3A_193 : i32
      %and3A = arith.andi %ne3A, %ne3A_194 : i1
      %sub3A = arith.constant 1 : i32
      %sub3A_195 = arith.subi %div3A, %sub3A : i32
      %select_n3A = arith.select %and3A, %sub3A_195, %div3A : i32
      %jit3A_196 = arith.constant 4 : i32
      %eq3A = arith.constant 0 : i32
      %eq3A_197 = arith.cmpi eq, %jit3A_196, %eq3A : i32
      %jit3A_198 = arith.constant 1 : i32
      %select_n3A_199 = arith.select %eq3A_197, %jit3A_198, %jit3A_196 : i32
      %rem3A_200 = arith.remsi %scan3A_178, %select_n3A_199 : i32
      %ne3A_201 = arith.constant 0 : i32
      %ne3A_202 = arith.cmpi ne, %rem3A_200, %ne3A_201 : i32
      %lt3A = arith.constant 0 : i32
      %lt3A_203 = arith.cmpi slt, %rem3A_200, %lt3A : i32
      %lt3A_204 = arith.constant 0 : i32
      %lt3A_205 = arith.cmpi slt, %select_n3A_199, %lt3A_204 : i32
      %ne3A_206 = arith.xori %lt3A_203, %lt3A_205 : i1
      %and3A_207 = arith.andi %ne3A_206, %ne3A_202 : i1
      %add3A_208 = arith.addi %rem3A_200, %select_n3A_199 : i32
      %select_n3A_209 = arith.select %and3A_207, %add3A_208, %rem3A_200 : i32
      %mul3A_210 = arith.constant 16 : i32
      %mul3A_211 = arith.muli %select_n3A_209, %mul3A_210 : i32
      %get3A = arith.index_cast %select_n3A : i32 to index
      %get3A_212 = arith.index_cast %mul3A_211 : i32 to index
      %get3A_213 = tpu.vector_load %arg6[%get3A, %get3A_212] {strides = array<i32>} : memref<80x64xi32, #tpu.memory_space<vmem>>, vector<1x16xi32>,
      %get3A_214 = vector.shape_cast %get3A_213 : vector<1x16xi32> to vector<16xi32>
      %add3A_215 = vector.broadcast %mul3A_13 : i32 to vector<16xi32>
      %add3A_216 = arith.addi %get3A_214, %add3A_215 : vector<16xi32>
      %mul3A_217 = arith.constant 16 : i32
      %mul3A_218 = arith.muli %select_n3A_209, %mul3A_217 : i32
      %swap3A = arith.index_cast %select_n3A : i32 to index
      %swap3A_219 = arith.index_cast %mul3A_218 : i32 to index
      %swap3A_220 = tpu.vector_load %arg6[%swap3A, %swap3A_219] {strides = array<i32>} : memref<80x64xi32, #tpu.memory_space<vmem>>, vector<1x16xi32>,
      %swap3A_221 = vector.shape_cast %swap3A_220 : vector<1x16xi32> to vector<16xi32>
      %swap3A_222 = vector.shape_cast %add3A_216 : vector<16xi32> to vector<1x16xi32>
      tpu.vector_store %arg6[%swap3A, %swap3A_219], %swap3A_222 {strides = array<i32>} : memref<80x64xi32, #tpu.memory_space<vmem>>, vector<1x16xi32>,
      %scan3A_223 = arith.constant 0 : i32
      scf.yield %scan3A_223 : i32
    }
    %scan3A_25 = arith.constant 320 : i32
    %barrier3A = arith.constant 0 : index
    tpu.barrier barrier_id(%barrier3A)
    %dma_start3A = arith.constant 0 : i32
    %dma_start3A_26 = arith.constant 0 : i32
    %dma_start3A_27 = tpu.memref_slice %arg6[%dma_start3A, %dma_start3A_26] : memref<80x64xi32, #tpu.memory_space<vmem>> -> memref<1x64xi32, #tpu.memory_space<vmem>>
    %dma_start3A_28 = tpu.memref_squeeze %dma_start3A_27 : memref<1x64xi32, #tpu.memory_space<vmem>> -> memref<64xi32, #tpu.memory_space<vmem>>
    %dma_start3A_29 = arith.constant 0 : i32
    %dma_start3A_30 = arith.constant 0 : i32
    %dma_start3A_31 = tpu.memref_slice %arg4[%dma_start3A_29, %dma_start3A_30] : memref<20000x128xf32, #tpu.memory_space<hbm>> -> memref<20000x128xf32, #tpu.memory_space<hbm>>
    tpu.enqueue_indirect_dma source(%dma_start3A_31 : memref<20000x128xf32, #tpu.memory_space<hbm>>) target(%arg8 : memref<64x128xf32, #tpu.memory_space<vmem>>) offsets(%dma_start3A_28 : memref<64xi32, #tpu.memory_space<vmem>>) semaphore(%arg14 : memref<!tpu.dma_semaphore, #tpu.memory_space<semaphore_mem>>)
    %dma_start3A_32 = arith.constant 1 : i32
    %dma_start3A_33 = arith.constant 0 : i32
    %dma_start3A_34 = tpu.memref_slice %arg6[%dma_start3A_32, %dma_start3A_33] : memref<80x64xi32, #tpu.memory_space<vmem>> -> memref<1x64xi32, #tpu.memory_space<vmem>>
    %dma_start3A_35 = tpu.memref_squeeze %dma_start3A_34 : memref<1x64xi32, #tpu.memory_space<vmem>> -> memref<64xi32, #tpu.memory_space<vmem>>
    %dma_start3A_36 = arith.constant 0 : i32
    %dma_start3A_37 = arith.constant 0 : i32
    %dma_start3A_38 = tpu.memref_slice %arg4[%dma_start3A_36, %dma_start3A_37] : memref<20000x128xf32, #tpu.memory_space<hbm>> -> memref<20000x128xf32, #tpu.memory_space<hbm>>
    tpu.enqueue_indirect_dma source(%dma_start3A_38 : memref<20000x128xf32, #tpu.memory_space<hbm>>) target(%arg9 : memref<64x128xf32, #tpu.memory_space<vmem>>) offsets(%dma_start3A_35 : memref<64xi32, #tpu.memory_space<vmem>>) semaphore(%arg15 : memref<!tpu.dma_semaphore, #tpu.memory_space<semaphore_mem>>)
    %dma_start3A_39 = arith.constant 2 : i32
    %dma_start3A_40 = arith.constant 0 : i32
    %dma_start3A_41 = tpu.memref_slice %arg6[%dma_start3A_39, %dma_start3A_40] : memref<80x64xi32, #tpu.memory_space<vmem>> -> memref<1x64xi32, #tpu.memory_space<vmem>>
    %dma_start3A_42 = tpu.memref_squeeze %dma_start3A_41 : memref<1x64xi32, #tpu.memory_space<vmem>> -> memref<64xi32, #tpu.memory_space<vmem>>
    %dma_start3A_43 = arith.constant 0 : i32
    %dma_start3A_44 = arith.constant 0 : i32
    %dma_start3A_45 = tpu.memref_slice %arg4[%dma_start3A_43, %dma_start3A_44] : memref<20000x128xf32, #tpu.memory_space<hbm>> -> memref<20000x128xf32, #tpu.memory_space<hbm>>
    tpu.enqueue_indirect_dma source(%dma_start3A_45 : memref<20000x128xf32, #tpu.memory_space<hbm>>) target(%arg10 : memref<64x128xf32, #tpu.memory_space<vmem>>) offsets(%dma_start3A_42 : memref<64xi32, #tpu.memory_space<vmem>>) semaphore(%arg16 : memref<!tpu.dma_semaphore, #tpu.memory_space<semaphore_mem>>)
    %dma_start3A_46 = arith.constant 3 : i32
    %dma_start3A_47 = arith.constant 0 : i32
    %dma_start3A_48 = tpu.memref_slice %arg6[%dma_start3A_46, %dma_start3A_47] : memref<80x64xi32, #tpu.memory_space<vmem>> -> memref<1x64xi32, #tpu.memory_space<vmem>>
    %dma_start3A_49 = tpu.memref_squeeze %dma_start3A_48 : memref<1x64xi32, #tpu.memory_space<vmem>> -> memref<64xi32, #tpu.memory_space<vmem>>
    %dma_start3A_50 = arith.constant 0 : i32
    %dma_start3A_51 = arith.constant 0 : i32
    %dma_start3A_52 = tpu.memref_slice %arg4[%dma_start3A_50, %dma_start3A_51] : memref<20000x128xf32, #tpu.memory_space<hbm>> -> memref<20000x128xf32, #tpu.memory_space<hbm>>
    tpu.enqueue_indirect_dma source(%dma_start3A_52 : memref<20000x128xf32, #tpu.memory_space<hbm>>) target(%arg11 : memref<64x128xf32, #tpu.memory_space<vmem>>) offsets(%dma_start3A_49 : memref<64xi32, #tpu.memory_space<vmem>>) semaphore(%arg17 : memref<!tpu.dma_semaphore, #tpu.memory_space<semaphore_mem>>)
    %scan3A_53 = arith.constant 0 : i32
    %scan3A_54 = arith.constant 0 : i32
    %scan3A_55 = arith.constant 19 : i32
    %scan3A_56 = arith.addi %scan3A_54, %scan3A_55 : i32
    %scan3A_57 = arith.constant 1 : i32
    %scan3A_58 = scf.for %scan3A_178 = %scan3A_54 to %scan3A_56 step %scan3A_57 iter_args(%scan3A_179 = %scan3A_53) -> (i32)  : i32 {
      %mul3A_180 = arith.constant 4 : i32
      %mul3A_181 = arith.muli %mul3A_180, %scan3A_178 : i32
      %add3A_182 = arith.constant 0 : i32
      %add3A_183 = arith.addi %mul3A_181, %add3A_182 : i32
      %dma_wait3A_184 = arith.constant 0 : i32
      %dma_wait3A_185 = tpu.memref_slice %arg6[%add3A_183, %dma_wait3A_184] : memref<80x64xi32, #tpu.memory_space<vmem>> -> memref<1x64xi32, #tpu.memory_space<vmem>>
      %dma_wait3A_186 = tpu.memref_squeeze %dma_wait3A_185 : memref<1x64xi32, #tpu.memory_space<vmem>> -> memref<64xi32, #tpu.memory_space<vmem>>
      %dma_wait3A_187 = arith.constant 0 : i32
      %dma_wait3A_188 = arith.constant 0 : i32
      %dma_wait3A_189 = tpu.memref_slice %arg4[%dma_wait3A_187, %dma_wait3A_188] : memref<20000x128xf32, #tpu.memory_space<hbm>> -> memref<20000x128xf32, #tpu.memory_space<hbm>>
      tpu.wait_indirect_dma semaphore(%arg14 : memref<!tpu.dma_semaphore, #tpu.memory_space<semaphore_mem>>) src(%dma_wait3A_189 : memref<20000x128xf32, #tpu.memory_space<hbm>>) dst(%arg8 : memref<64x128xf32, #tpu.memory_space<vmem>>)
      %add3A_190 = arith.constant 0 : i32
      %add3A_191 = arith.addi %mul3A_181, %add3A_190 : i32
      "tpu.region"() ({
        %run_scoped3A_263 = tpu.sem_alloc : memref<!tpu.dma_semaphore, #tpu.memory_space<semaphore_mem>>
        %dma_start3A_264 = arith.constant 0 : i32
        %dma_start3A_265 = tpu.memref_slice %arg7[%add3A_191, %dma_start3A_264] : memref<80x64xi32, #tpu.memory_space<vmem>> -> memref<1x64xi32, #tpu.memory_space<vmem>>
        %dma_start3A_266 = tpu.memref_squeeze %dma_start3A_265 : memref<1x64xi32, #tpu.memory_space<vmem>> -> memref<64xi32, #tpu.memory_space<vmem>>
        %dma_start3A_267 = arith.constant 0 : i32
        %dma_start3A_268 = arith.constant 0 : i32
        %dma_start3A_269 = tpu.memref_slice %arg13[%dma_start3A_267, %dma_start3A_268] : memref<10240x128xf32, #tpu.memory_space<vmem_shared>> -> memref<10240x128xf32, #tpu.memory_space<vmem_shared>>
        tpu.enqueue_indirect_dma source(%arg8 : memref<64x128xf32, #tpu.memory_space<vmem>>) target(%dma_start3A_269 : memref<10240x128xf32, #tpu.memory_space<vmem_shared>>) offsets(%dma_start3A_266 : memref<64xi32, #tpu.memory_space<vmem>>) semaphore(%run_scoped3A_263 : memref<!tpu.dma_semaphore, #tpu.memory_space<semaphore_mem>>) {add = true}
        %dma_wait3A_270 = arith.constant 0 : i32
        %dma_wait3A_271 = tpu.memref_slice %arg7[%add3A_191, %dma_wait3A_270] : memref<80x64xi32, #tpu.memory_space<vmem>> -> memref<1x64xi32, #tpu.memory_space<vmem>>
        %dma_wait3A_272 = tpu.memref_squeeze %dma_wait3A_271 : memref<1x64xi32, #tpu.memory_space<vmem>> -> memref<64xi32, #tpu.memory_space<vmem>>
        %dma_wait3A_273 = arith.constant 0 : i32
        %dma_wait3A_274 = arith.constant 0 : i32
        %dma_wait3A_275 = tpu.memref_slice %arg13[%dma_wait3A_273, %dma_wait3A_274] : memref<10240x128xf32, #tpu.memory_space<vmem_shared>> -> memref<10240x128xf32, #tpu.memory_space<vmem_shared>>
        tpu.wait_indirect_dma semaphore(%run_scoped3A_263 : memref<!tpu.dma_semaphore, #tpu.memory_space<semaphore_mem>>) src(%arg8 : memref<64x128xf32, #tpu.memory_space<vmem>>) dst(%dma_wait3A_275 : memref<10240x128xf32, #tpu.memory_space<vmem_shared>>)
        tpu.yield
      }) : () -> ()
      %add3A_192 = arith.constant 0 : i32
      %add3A_193 = arith.addi %mul3A_181, %add3A_192 : i32
      %add3A_194 = arith.constant 4 : i32
      %add3A_195 = arith.addi %add3A_193, %add3A_194 : i32
      %dma_start3A_196 = arith.constant 0 : i32
      %dma_start3A_197 = tpu.memref_slice %arg6[%add3A_195, %dma_start3A_196] : memref<80x64xi32, #tpu.memory_space<vmem>> -> memref<1x64xi32, #tpu.memory_space<vmem>>
      %dma_start3A_198 = tpu.memref_squeeze %dma_start3A_197 : memref<1x64xi32, #tpu.memory_space<vmem>> -> memref<64xi32, #tpu.memory_space<vmem>>
      %dma_start3A_199 = arith.constant 0 : i32
      %dma_start3A_200 = arith.constant 0 : i32
      %dma_start3A_201 = tpu.memref_slice %arg4[%dma_start3A_199, %dma_start3A_200] : memref<20000x128xf32, #tpu.memory_space<hbm>> -> memref<20000x128xf32, #tpu.memory_space<hbm>>
      tpu.enqueue_indirect_dma source(%dma_start3A_201 : memref<20000x128xf32, #tpu.memory_space<hbm>>) target(%arg8 : memref<64x128xf32, #tpu.memory_space<vmem>>) offsets(%dma_start3A_198 : memref<64xi32, #tpu.memory_space<vmem>>) semaphore(%arg14 : memref<!tpu.dma_semaphore, #tpu.memory_space<semaphore_mem>>)
      %add3A_202 = arith.constant 1 : i32
      %add3A_203 = arith.addi %mul3A_181, %add3A_202 : i32
      %dma_wait3A_204 = arith.constant 0 : i32
      %dma_wait3A_205 = tpu.memref_slice %arg6[%add3A_203, %dma_wait3A_204] : memref<80x64xi32, #tpu.memory_space<vmem>> -> memref<1x64xi32, #tpu.memory_space<vmem>>
      %dma_wait3A_206 = tpu.memref_squeeze %dma_wait3A_205 : memref<1x64xi32, #tpu.memory_space<vmem>> -> memref<64xi32, #tpu.memory_space<vmem>>
      %dma_wait3A_207 = arith.constant 0 : i32
      %dma_wait3A_208 = arith.constant 0 : i32
      %dma_wait3A_209 = tpu.memref_slice %arg4[%dma_wait3A_207, %dma_wait3A_208] : memref<20000x128xf32, #tpu.memory_space<hbm>> -> memref<20000x128xf32, #tpu.memory_space<hbm>>
      tpu.wait_indirect_dma semaphore(%arg15 : memref<!tpu.dma_semaphore, #tpu.memory_space<semaphore_mem>>) src(%dma_wait3A_209 : memref<20000x128xf32, #tpu.memory_space<hbm>>) dst(%arg9 : memref<64x128xf32, #tpu.memory_space<vmem>>)
      %add3A_210 = arith.constant 1 : i32
      %add3A_211 = arith.addi %mul3A_181, %add3A_210 : i32
      "tpu.region"() ({
        %run_scoped3A_263 = tpu.sem_alloc : memref<!tpu.dma_semaphore, #tpu.memory_space<semaphore_mem>>
        %dma_start3A_264 = arith.constant 0 : i32
        %dma_start3A_265 = tpu.memref_slice %arg7[%add3A_211, %dma_start3A_264] : memref<80x64xi32, #tpu.memory_space<vmem>> -> memref<1x64xi32, #tpu.memory_space<vmem>>
        %dma_start3A_266 = tpu.memref_squeeze %dma_start3A_265 : memref<1x64xi32, #tpu.memory_space<vmem>> -> memref<64xi32, #tpu.memory_space<vmem>>
        %dma_start3A_267 = arith.constant 0 : i32
        %dma_start3A_268 = arith.constant 0 : i32
        %dma_start3A_269 = tpu.memref_slice %arg13[%dma_start3A_267, %dma_start3A_268] : memref<10240x128xf32, #tpu.memory_space<vmem_shared>> -> memref<10240x128xf32, #tpu.memory_space<vmem_shared>>
        tpu.enqueue_indirect_dma source(%arg9 : memref<64x128xf32, #tpu.memory_space<vmem>>) target(%dma_start3A_269 : memref<10240x128xf32, #tpu.memory_space<vmem_shared>>) offsets(%dma_start3A_266 : memref<64xi32, #tpu.memory_space<vmem>>) semaphore(%run_scoped3A_263 : memref<!tpu.dma_semaphore, #tpu.memory_space<semaphore_mem>>) {add = true}
        %dma_wait3A_270 = arith.constant 0 : i32
        %dma_wait3A_271 = tpu.memref_slice %arg7[%add3A_211, %dma_wait3A_270] : memref<80x64xi32, #tpu.memory_space<vmem>> -> memref<1x64xi32, #tpu.memory_space<vmem>>
        %dma_wait3A_272 = tpu.memref_squeeze %dma_wait3A_271 : memref<1x64xi32, #tpu.memory_space<vmem>> -> memref<64xi32, #tpu.memory_space<vmem>>
        %dma_wait3A_273 = arith.constant 0 : i32
        %dma_wait3A_274 = arith.constant 0 : i32
        %dma_wait3A_275 = tpu.memref_slice %arg13[%dma_wait3A_273, %dma_wait3A_274] : memref<10240x128xf32, #tpu.memory_space<vmem_shared>> -> memref<10240x128xf32, #tpu.memory_space<vmem_shared>>
        tpu.wait_indirect_dma semaphore(%run_scoped3A_263 : memref<!tpu.dma_semaphore, #tpu.memory_space<semaphore_mem>>) src(%arg9 : memref<64x128xf32, #tpu.memory_space<vmem>>) dst(%dma_wait3A_275 : memref<10240x128xf32, #tpu.memory_space<vmem_shared>>)
        tpu.yield
      }) : () -> ()
      %add3A_212 = arith.constant 1 : i32
      %add3A_213 = arith.addi %mul3A_181, %add3A_212 : i32
      %add3A_214 = arith.constant 4 : i32
      %add3A_215 = arith.addi %add3A_213, %add3A_214 : i32
      %dma_start3A_216 = arith.constant 0 : i32
      %dma_start3A_217 = tpu.memref_slice %arg6[%add3A_215, %dma_start3A_216] : memref<80x64xi32, #tpu.memory_space<vmem>> -> memref<1x64xi32, #tpu.memory_space<vmem>>
      %dma_start3A_218 = tpu.memref_squeeze %dma_start3A_217 : memref<1x64xi32, #tpu.memory_space<vmem>> -> memref<64xi32, #tpu.memory_space<vmem>>
      %dma_start3A_219 = arith.constant 0 : i32
      %dma_start3A_220 = arith.constant 0 : i32
      %dma_start3A_221 = tpu.memref_slice %arg4[%dma_start3A_219, %dma_start3A_220] : memref<20000x128xf32, #tpu.memory_space<hbm>> -> memref<20000x128xf32, #tpu.memory_space<hbm>>
      tpu.enqueue_indirect_dma source(%dma_start3A_221 : memref<20000x128xf32, #tpu.memory_space<hbm>>) target(%arg9 : memref<64x128xf32, #tpu.memory_space<vmem>>) offsets(%dma_start3A_218 : memref<64xi32, #tpu.memory_space<vmem>>) semaphore(%arg15 : memref<!tpu.dma_semaphore, #tpu.memory_space<semaphore_mem>>)
      %add3A_222 = arith.constant 2 : i32
      %add3A_223 = arith.addi %mul3A_181, %add3A_222 : i32
      %dma_wait3A_224 = arith.constant 0 : i32
      %dma_wait3A_225 = tpu.memref_slice %arg6[%add3A_223, %dma_wait3A_224] : memref<80x64xi32, #tpu.memory_space<vmem>> -> memref<1x64xi32, #tpu.memory_space<vmem>>
      %dma_wait3A_226 = tpu.memref_squeeze %dma_wait3A_225 : memref<1x64xi32, #tpu.memory_space<vmem>> -> memref<64xi32, #tpu.memory_space<vmem>>
      %dma_wait3A_227 = arith.constant 0 : i32
      %dma_wait3A_228 = arith.constant 0 : i32
      %dma_wait3A_229 = tpu.memref_slice %arg4[%dma_wait3A_227, %dma_wait3A_228] : memref<20000x128xf32, #tpu.memory_space<hbm>> -> memref<20000x128xf32, #tpu.memory_space<hbm>>
      tpu.wait_indirect_dma semaphore(%arg16 : memref<!tpu.dma_semaphore, #tpu.memory_space<semaphore_mem>>) src(%dma_wait3A_229 : memref<20000x128xf32, #tpu.memory_space<hbm>>) dst(%arg10 : memref<64x128xf32, #tpu.memory_space<vmem>>)
      %add3A_230 = arith.constant 2 : i32
      %add3A_231 = arith.addi %mul3A_181, %add3A_230 : i32
      "tpu.region"() ({
        %run_scoped3A_263 = tpu.sem_alloc : memref<!tpu.dma_semaphore, #tpu.memory_space<semaphore_mem>>
        %dma_start3A_264 = arith.constant 0 : i32
        %dma_start3A_265 = tpu.memref_slice %arg7[%add3A_231, %dma_start3A_264] : memref<80x64xi32, #tpu.memory_space<vmem>> -> memref<1x64xi32, #tpu.memory_space<vmem>>
        %dma_start3A_266 = tpu.memref_squeeze %dma_start3A_265 : memref<1x64xi32, #tpu.memory_space<vmem>> -> memref<64xi32, #tpu.memory_space<vmem>>
        %dma_start3A_267 = arith.constant 0 : i32
        %dma_start3A_268 = arith.constant 0 : i32
        %dma_start3A_269 = tpu.memref_slice %arg13[%dma_start3A_267, %dma_start3A_268] : memref<10240x128xf32, #tpu.memory_space<vmem_shared>> -> memref<10240x128xf32, #tpu.memory_space<vmem_shared>>
        tpu.enqueue_indirect_dma source(%arg10 : memref<64x128xf32, #tpu.memory_space<vmem>>) target(%dma_start3A_269 : memref<10240x128xf32, #tpu.memory_space<vmem_shared>>) offsets(%dma_start3A_266 : memref<64xi32, #tpu.memory_space<vmem>>) semaphore(%run_scoped3A_263 : memref<!tpu.dma_semaphore, #tpu.memory_space<semaphore_mem>>) {add = true}
        %dma_wait3A_270 = arith.constant 0 : i32
        %dma_wait3A_271 = tpu.memref_slice %arg7[%add3A_231, %dma_wait3A_270] : memref<80x64xi32, #tpu.memory_space<vmem>> -> memref<1x64xi32, #tpu.memory_space<vmem>>
        %dma_wait3A_272 = tpu.memref_squeeze %dma_wait3A_271 : memref<1x64xi32, #tpu.memory_space<vmem>> -> memref<64xi32, #tpu.memory_space<vmem>>
        %dma_wait3A_273 = arith.constant 0 : i32
        %dma_wait3A_274 = arith.constant 0 : i32
        %dma_wait3A_275 = tpu.memref_slice %arg13[%dma_wait3A_273, %dma_wait3A_274] : memref<10240x128xf32, #tpu.memory_space<vmem_shared>> -> memref<10240x128xf32, #tpu.memory_space<vmem_shared>>
        tpu.wait_indirect_dma semaphore(%run_scoped3A_263 : memref<!tpu.dma_semaphore, #tpu.memory_space<semaphore_mem>>) src(%arg10 : memref<64x128xf32, #tpu.memory_space<vmem>>) dst(%dma_wait3A_275 : memref<10240x128xf32, #tpu.memory_space<vmem_shared>>)
        tpu.yield
      }) : () -> ()
      %add3A_232 = arith.constant 2 : i32
      %add3A_233 = arith.addi %mul3A_181, %add3A_232 : i32
      %add3A_234 = arith.constant 4 : i32
      %add3A_235 = arith.addi %add3A_233, %add3A_234 : i32
      %dma_start3A_236 = arith.constant 0 : i32
      %dma_start3A_237 = tpu.memref_slice %arg6[%add3A_235, %dma_start3A_236] : memref<80x64xi32, #tpu.memory_space<vmem>> -> memref<1x64xi32, #tpu.memory_space<vmem>>
      %dma_start3A_238 = tpu.memref_squeeze %dma_start3A_237 : memref<1x64xi32, #tpu.memory_space<vmem>> -> memref<64xi32, #tpu.memory_space<vmem>>
      %dma_start3A_239 = arith.constant 0 : i32
      %dma_start3A_240 = arith.constant 0 : i32
      %dma_start3A_241 = tpu.memref_slice %arg4[%dma_start3A_239, %dma_start3A_240] : memref<20000x128xf32, #tpu.memory_space<hbm>> -> memref<20000x128xf32, #tpu.memory_space<hbm>>
      tpu.enqueue_indirect_dma source(%dma_start3A_241 : memref<20000x128xf32, #tpu.memory_space<hbm>>) target(%arg10 : memref<64x128xf32, #tpu.memory_space<vmem>>) offsets(%dma_start3A_238 : memref<64xi32, #tpu.memory_space<vmem>>) semaphore(%arg16 : memref<!tpu.dma_semaphore, #tpu.memory_space<semaphore_mem>>)
      %add3A_242 = arith.constant 3 : i32
      %add3A_243 = arith.addi %mul3A_181, %add3A_242 : i32
      %dma_wait3A_244 = arith.constant 0 : i32
      %dma_wait3A_245 = tpu.memref_slice %arg6[%add3A_243, %dma_wait3A_244] : memref<80x64xi32, #tpu.memory_space<vmem>> -> memref<1x64xi32, #tpu.memory_space<vmem>>
      %dma_wait3A_246 = tpu.memref_squeeze %dma_wait3A_245 : memref<1x64xi32, #tpu.memory_space<vmem>> -> memref<64xi32, #tpu.memory_space<vmem>>
      %dma_wait3A_247 = arith.constant 0 : i32
      %dma_wait3A_248 = arith.constant 0 : i32
      %dma_wait3A_249 = tpu.memref_slice %arg4[%dma_wait3A_247, %dma_wait3A_248] : memref<20000x128xf32, #tpu.memory_space<hbm>> -> memref<20000x128xf32, #tpu.memory_space<hbm>>
      tpu.wait_indirect_dma semaphore(%arg17 : memref<!tpu.dma_semaphore, #tpu.memory_space<semaphore_mem>>) src(%dma_wait3A_249 : memref<20000x128xf32, #tpu.memory_space<hbm>>) dst(%arg11 : memref<64x128xf32, #tpu.memory_space<vmem>>)
      %add3A_250 = arith.constant 3 : i32
      %add3A_251 = arith.addi %mul3A_181, %add3A_250 : i32
      "tpu.region"() ({
        %run_scoped3A_263 = tpu.sem_alloc : memref<!tpu.dma_semaphore, #tpu.memory_space<semaphore_mem>>
        %dma_start3A_264 = arith.constant 0 : i32
        %dma_start3A_265 = tpu.memref_slice %arg7[%add3A_251, %dma_start3A_264] : memref<80x64xi32, #tpu.memory_space<vmem>> -> memref<1x64xi32, #tpu.memory_space<vmem>>
        %dma_start3A_266 = tpu.memref_squeeze %dma_start3A_265 : memref<1x64xi32, #tpu.memory_space<vmem>> -> memref<64xi32, #tpu.memory_space<vmem>>
        %dma_start3A_267 = arith.constant 0 : i32
        %dma_start3A_268 = arith.constant 0 : i32
        %dma_start3A_269 = tpu.memref_slice %arg13[%dma_start3A_267, %dma_start3A_268] : memref<10240x128xf32, #tpu.memory_space<vmem_shared>> -> memref<10240x128xf32, #tpu.memory_space<vmem_shared>>
        tpu.enqueue_indirect_dma source(%arg11 : memref<64x128xf32, #tpu.memory_space<vmem>>) target(%dma_start3A_269 : memref<10240x128xf32, #tpu.memory_space<vmem_shared>>) offsets(%dma_start3A_266 : memref<64xi32, #tpu.memory_space<vmem>>) semaphore(%run_scoped3A_263 : memref<!tpu.dma_semaphore, #tpu.memory_space<semaphore_mem>>) {add = true}
        %dma_wait3A_270 = arith.constant 0 : i32
        %dma_wait3A_271 = tpu.memref_slice %arg7[%add3A_251, %dma_wait3A_270] : memref<80x64xi32, #tpu.memory_space<vmem>> -> memref<1x64xi32, #tpu.memory_space<vmem>>
        %dma_wait3A_272 = tpu.memref_squeeze %dma_wait3A_271 : memref<1x64xi32, #tpu.memory_space<vmem>> -> memref<64xi32, #tpu.memory_space<vmem>>
        %dma_wait3A_273 = arith.constant 0 : i32
        %dma_wait3A_274 = arith.constant 0 : i32
        %dma_wait3A_275 = tpu.memref_slice %arg13[%dma_wait3A_273, %dma_wait3A_274] : memref<10240x128xf32, #tpu.memory_space<vmem_shared>> -> memref<10240x128xf32, #tpu.memory_space<vmem_shared>>
        tpu.wait_indirect_dma semaphore(%run_scoped3A_263 : memref<!tpu.dma_semaphore, #tpu.memory_space<semaphore_mem>>) src(%arg11 : memref<64x128xf32, #tpu.memory_space<vmem>>) dst(%dma_wait3A_275 : memref<10240x128xf32, #tpu.memory_space<vmem_shared>>)
        tpu.yield
      }) : () -> ()
      %add3A_252 = arith.constant 3 : i32
      %add3A_253 = arith.addi %mul3A_181, %add3A_252 : i32
      %add3A_254 = arith.constant 4 : i32
      %add3A_255 = arith.addi %add3A_253, %add3A_254 : i32
      %dma_start3A_256 = arith.constant 0 : i32
      %dma_start3A_257 = tpu.memref_slice %arg6[%add3A_255, %dma_start3A_256] : memref<80x64xi32, #tpu.memory_space<vmem>> -> memref<1x64xi32, #tpu.memory_space<vmem>>
      %dma_start3A_258 = tpu.memref_squeeze %dma_start3A_257 : memref<1x64xi32, #tpu.memory_space<vmem>> -> memref<64xi32, #tpu.memory_space<vmem>>
      %dma_start3A_259 = arith.constant 0 : i32
      %dma_start3A_260 = arith.constant 0 : i32
      %dma_start3A_261 = tpu.memref_slice %arg4[%dma_start3A_259, %dma_start3A_260] : memref<20000x128xf32, #tpu.memory_space<hbm>> -> memref<20000x128xf32, #tpu.memory_space<hbm>>
      tpu.enqueue_indirect_dma source(%dma_start3A_261 : memref<20000x128xf32, #tpu.memory_space<hbm>>) target(%arg11 : memref<64x128xf32, #tpu.memory_space<vmem>>) offsets(%dma_start3A_258 : memref<64xi32, #tpu.memory_space<vmem>>) semaphore(%arg17 : memref<!tpu.dma_semaphore, #tpu.memory_space<semaphore_mem>>)
      %scan3A_262 = arith.constant 0 : i32
      scf.yield %scan3A_262 : i32
    }
    %scan3A_59 = arith.constant 19 : i32
    %dma_wait3A = arith.constant 76 : i32
    %dma_wait3A_60 = arith.constant 0 : i32
    %dma_wait3A_61 = tpu.memref_slice %arg6[%dma_wait3A, %dma_wait3A_60] : memref<80x64xi32, #tpu.memory_space<vmem>> -> memref<1x64xi32, #tpu.memory_space<vmem>>
    %dma_wait3A_62 = tpu.memref_squeeze %dma_wait3A_61 : memref<1x64xi32, #tpu.memory_space<vmem>> -> memref<64xi32, #tpu.memory_space<vmem>>
    %dma_wait3A_63 = arith.constant 0 : i32
    %dma_wait3A_64 = arith.constant 0 : i32
    %dma_wait3A_65 = tpu.memref_slice %arg4[%dma_wait3A_63, %dma_wait3A_64] : memref<20000x128xf32, #tpu.memory_space<hbm>> -> memref<20000x128xf32, #tpu.memory_space<hbm>>
    tpu.wait_indirect_dma semaphore(%arg14 : memref<!tpu.dma_semaphore, #tpu.memory_space<semaphore_mem>>) src(%dma_wait3A_65 : memref<20000x128xf32, #tpu.memory_space<hbm>>) dst(%arg8 : memref<64x128xf32, #tpu.memory_space<vmem>>)
    %run_scoped3A = arith.constant 76 : i32
    "tpu.region"() ({
      %run_scoped3A_178 = tpu.sem_alloc : memref<!tpu.dma_semaphore, #tpu.memory_space<semaphore_mem>>
      %dma_start3A_179 = arith.constant 0 : i32
      %dma_start3A_180 = tpu.memref_slice %arg7[%run_scoped3A, %dma_start3A_179] : memref<80x64xi32, #tpu.memory_space<vmem>> -> memref<1x64xi32, #tpu.memory_space<vmem>>
      %dma_start3A_181 = tpu.memref_squeeze %dma_start3A_180 : memref<1x64xi32, #tpu.memory_space<vmem>> -> memref<64xi32, #tpu.memory_space<vmem>>
      %dma_start3A_182 = arith.constant 0 : i32
      %dma_start3A_183 = arith.constant 0 : i32
      %dma_start3A_184 = tpu.memref_slice %arg13[%dma_start3A_182, %dma_start3A_183] : memref<10240x128xf32, #tpu.memory_space<vmem_shared>> -> memref<10240x128xf32, #tpu.memory_space<vmem_shared>>
      tpu.enqueue_indirect_dma source(%arg8 : memref<64x128xf32, #tpu.memory_space<vmem>>) target(%dma_start3A_184 : memref<10240x128xf32, #tpu.memory_space<vmem_shared>>) offsets(%dma_start3A_181 : memref<64xi32, #tpu.memory_space<vmem>>) semaphore(%run_scoped3A_178 : memref<!tpu.dma_semaphore, #tpu.memory_space<semaphore_mem>>) {add = true}
      %dma_wait3A_185 = arith.constant 0 : i32
      %dma_wait3A_186 = tpu.memref_slice %arg7[%run_scoped3A, %dma_wait3A_185] : memref<80x64xi32, #tpu.memory_space<vmem>> -> memref<1x64xi32, #tpu.memory_space<vmem>>
      %dma_wait3A_187 = tpu.memref_squeeze %dma_wait3A_186 : memref<1x64xi32, #tpu.memory_space<vmem>> -> memref<64xi32, #tpu.memory_space<vmem>>
      %dma_wait3A_188 = arith.constant 0 : i32
      %dma_wait3A_189 = arith.constant 0 : i32
      %dma_wait3A_190 = tpu.memref_slice %arg13[%dma_wait3A_188, %dma_wait3A_189] : memref<10240x128xf32, #tpu.memory_space<vmem_shared>> -> memref<10240x128xf32, #tpu.memory_space<vmem_shared>>
      tpu.wait_indirect_dma semaphore(%run_scoped3A_178 : memref<!tpu.dma_semaphore, #tpu.memory_space<semaphore_mem>>) src(%arg8 : memref<64x128xf32, #tpu.memory_space<vmem>>) dst(%dma_wait3A_190 : memref<10240x128xf32, #tpu.memory_space<vmem_shared>>)
      tpu.yield
    }) : () -> ()
    %dma_wait3A_66 = arith.constant 77 : i32
    %dma_wait3A_67 = arith.constant 0 : i32
    %dma_wait3A_68 = tpu.memref_slice %arg6[%dma_wait3A_66, %dma_wait3A_67] : memref<80x64xi32, #tpu.memory_space<vmem>> -> memref<1x64xi32, #tpu.memory_space<vmem>>
    %dma_wait3A_69 = tpu.memref_squeeze %dma_wait3A_68 : memref<1x64xi32, #tpu.memory_space<vmem>> -> memref<64xi32, #tpu.memory_space<vmem>>
    %dma_wait3A_70 = arith.constant 0 : i32
    %dma_wait3A_71 = arith.constant 0 : i32
    %dma_wait3A_72 = tpu.memref_slice %arg4[%dma_wait3A_70, %dma_wait3A_71] : memref<20000x128xf32, #tpu.memory_space<hbm>> -> memref<20000x128xf32, #tpu.memory_space<hbm>>
    tpu.wait_indirect_dma semaphore(%arg15 : memref<!tpu.dma_semaphore, #tpu.memory_space<semaphore_mem>>) src(%dma_wait3A_72 : memref<20000x128xf32, #tpu.memory_space<hbm>>) dst(%arg9 : memref<64x128xf32, #tpu.memory_space<vmem>>)
    %run_scoped3A_73 = arith.constant 77 : i32
    "tpu.region"() ({
      %run_scoped3A_178 = tpu.sem_alloc : memref<!tpu.dma_semaphore, #tpu.memory_space<semaphore_mem>>
      %dma_start3A_179 = arith.constant 0 : i32
      %dma_start3A_180 = tpu.memref_slice %arg7[%run_scoped3A_73, %dma_start3A_179] : memref<80x64xi32, #tpu.memory_space<vmem>> -> memref<1x64xi32, #tpu.memory_space<vmem>>
      %dma_start3A_181 = tpu.memref_squeeze %dma_start3A_180 : memref<1x64xi32, #tpu.memory_space<vmem>> -> memref<64xi32, #tpu.memory_space<vmem>>
      %dma_start3A_182 = arith.constant 0 : i32
      %dma_start3A_183 = arith.constant 0 : i32
      %dma_start3A_184 = tpu.memref_slice %arg13[%dma_start3A_182, %dma_start3A_183] : memref<10240x128xf32, #tpu.memory_space<vmem_shared>> -> memref<10240x128xf32, #tpu.memory_space<vmem_shared>>
      tpu.enqueue_indirect_dma source(%arg9 : memref<64x128xf32, #tpu.memory_space<vmem>>) target(%dma_start3A_184 : memref<10240x128xf32, #tpu.memory_space<vmem_shared>>) offsets(%dma_start3A_181 : memref<64xi32, #tpu.memory_space<vmem>>) semaphore(%run_scoped3A_178 : memref<!tpu.dma_semaphore, #tpu.memory_space<semaphore_mem>>) {add = true}
      %dma_wait3A_185 = arith.constant 0 : i32
      %dma_wait3A_186 = tpu.memref_slice %arg7[%run_scoped3A_73, %dma_wait3A_185] : memref<80x64xi32, #tpu.memory_space<vmem>> -> memref<1x64xi32, #tpu.memory_space<vmem>>
      %dma_wait3A_187 = tpu.memref_squeeze %dma_wait3A_186 : memref<1x64xi32, #tpu.memory_space<vmem>> -> memref<64xi32, #tpu.memory_space<vmem>>
      %dma_wait3A_188 = arith.constant 0 : i32
      %dma_wait3A_189 = arith.constant 0 : i32
      %dma_wait3A_190 = tpu.memref_slice %arg13[%dma_wait3A_188, %dma_wait3A_189] : memref<10240x128xf32, #tpu.memory_space<vmem_shared>> -> memref<10240x128xf32, #tpu.memory_space<vmem_shared>>
      tpu.wait_indirect_dma semaphore(%run_scoped3A_178 : memref<!tpu.dma_semaphore, #tpu.memory_space<semaphore_mem>>) src(%arg9 : memref<64x128xf32, #tpu.memory_space<vmem>>) dst(%dma_wait3A_190 : memref<10240x128xf32, #tpu.memory_space<vmem_shared>>)
      tpu.yield
    }) : () -> ()
    %dma_wait3A_74 = arith.constant 78 : i32
    %dma_wait3A_75 = arith.constant 0 : i32
    %dma_wait3A_76 = tpu.memref_slice %arg6[%dma_wait3A_74, %dma_wait3A_75] : memref<80x64xi32, #tpu.memory_space<vmem>> -> memref<1x64xi32, #tpu.memory_space<vmem>>
    %dma_wait3A_77 = tpu.memref_squeeze %dma_wait3A_76 : memref<1x64xi32, #tpu.memory_space<vmem>> -> memref<64xi32, #tpu.memory_space<vmem>>
    %dma_wait3A_78 = arith.constant 0 : i32
    %dma_wait3A_79 = arith.constant 0 : i32
    %dma_wait3A_80 = tpu.memref_slice %arg4[%dma_wait3A_78, %dma_wait3A_79] : memref<20000x128xf32, #tpu.memory_space<hbm>> -> memref<20000x128xf32, #tpu.memory_space<hbm>>
    tpu.wait_indirect_dma semaphore(%arg16 : memref<!tpu.dma_semaphore, #tpu.memory_space<semaphore_mem>>) src(%dma_wait3A_80 : memref<20000x128xf32, #tpu.memory_space<hbm>>) dst(%arg10 : memref<64x128xf32, #tpu.memory_space<vmem>>)
    %run_scoped3A_81 = arith.constant 78 : i32
    "tpu.region"() ({
      %run_scoped3A_178 = tpu.sem_alloc : memref<!tpu.dma_semaphore, #tpu.memory_space<semaphore_mem>>
      %dma_start3A_179 = arith.constant 0 : i32
      %dma_start3A_180 = tpu.memref_slice %arg7[%run_scoped3A_81, %dma_start3A_179] : memref<80x64xi32, #tpu.memory_space<vmem>> -> memref<1x64xi32, #tpu.memory_space<vmem>>
      %dma_start3A_181 = tpu.memref_squeeze %dma_start3A_180 : memref<1x64xi32, #tpu.memory_space<vmem>> -> memref<64xi32, #tpu.memory_space<vmem>>
      %dma_start3A_182 = arith.constant 0 : i32
      %dma_start3A_183 = arith.constant 0 : i32
      %dma_start3A_184 = tpu.memref_slice %arg13[%dma_start3A_182, %dma_start3A_183] : memref<10240x128xf32, #tpu.memory_space<vmem_shared>> -> memref<10240x128xf32, #tpu.memory_space<vmem_shared>>
      tpu.enqueue_indirect_dma source(%arg10 : memref<64x128xf32, #tpu.memory_space<vmem>>) target(%dma_start3A_184 : memref<10240x128xf32, #tpu.memory_space<vmem_shared>>) offsets(%dma_start3A_181 : memref<64xi32, #tpu.memory_space<vmem>>) semaphore(%run_scoped3A_178 : memref<!tpu.dma_semaphore, #tpu.memory_space<semaphore_mem>>) {add = true}
      %dma_wait3A_185 = arith.constant 0 : i32
      %dma_wait3A_186 = tpu.memref_slice %arg7[%run_scoped3A_81, %dma_wait3A_185] : memref<80x64xi32, #tpu.memory_space<vmem>> -> memref<1x64xi32, #tpu.memory_space<vmem>>
      %dma_wait3A_187 = tpu.memref_squeeze %dma_wait3A_186 : memref<1x64xi32, #tpu.memory_space<vmem>> -> memref<64xi32, #tpu.memory_space<vmem>>
      %dma_wait3A_188 = arith.constant 0 : i32
      %dma_wait3A_189 = arith.constant 0 : i32
      %dma_wait3A_190 = tpu.memref_slice %arg13[%dma_wait3A_188, %dma_wait3A_189] : memref<10240x128xf32, #tpu.memory_space<vmem_shared>> -> memref<10240x128xf32, #tpu.memory_space<vmem_shared>>
      tpu.wait_indirect_dma semaphore(%run_scoped3A_178 : memref<!tpu.dma_semaphore, #tpu.memory_space<semaphore_mem>>) src(%arg10 : memref<64x128xf32, #tpu.memory_space<vmem>>) dst(%dma_wait3A_190 : memref<10240x128xf32, #tpu.memory_space<vmem_shared>>)
      tpu.yield
    }) : () -> ()
    %dma_wait3A_82 = arith.constant 79 : i32
    %dma_wait3A_83 = arith.constant 0 : i32
    %dma_wait3A_84 = tpu.memref_slice %arg6[%dma_wait3A_82, %dma_wait3A_83] : memref<80x64xi32, #tpu.memory_space<vmem>> -> memref<1x64xi32, #tpu.memory_space<vmem>>
    %dma_wait3A_85 = tpu.memref_squeeze %dma_wait3A_84 : memref<1x64xi32, #tpu.memory_space<vmem>> -> memref<64xi32, #tpu.memory_space<vmem>>
    %dma_wait3A_86 = arith.constant 0 : i32
    %dma_wait3A_87 = arith.constant 0 : i32
    %dma_wait3A_88 = tpu.memref_slice %arg4[%dma_wait3A_86, %dma_wait3A_87] : memref<20000x128xf32, #tpu.memory_space<hbm>> -> memref<20000x128xf32, #tpu.memory_space<hbm>>
    tpu.wait_indirect_dma semaphore(%arg17 : memref<!tpu.dma_semaphore, #tpu.memory_space<semaphore_mem>>) src(%dma_wait3A_88 : memref<20000x128xf32, #tpu.memory_space<hbm>>) dst(%arg11 : memref<64x128xf32, #tpu.memory_space<vmem>>)
    %run_scoped3A_89 = arith.constant 79 : i32
    "tpu.region"() ({
      %run_scoped3A_178 = tpu.sem_alloc : memref<!tpu.dma_semaphore, #tpu.memory_space<semaphore_mem>>
      %dma_start3A_179 = arith.constant 0 : i32
      %dma_start3A_180 = tpu.memref_slice %arg7[%run_scoped3A_89, %dma_start3A_179] : memref<80x64xi32, #tpu.memory_space<vmem>> -> memref<1x64xi32, #tpu.memory_space<vmem>>
      %dma_start3A_181 = tpu.memref_squeeze %dma_start3A_180 : memref<1x64xi32, #tpu.memory_space<vmem>> -> memref<64xi32, #tpu.memory_space<vmem>>
      %dma_start3A_182 = arith.constant 0 : i32
      %dma_start3A_183 = arith.constant 0 : i32
      %dma_start3A_184 = tpu.memref_slice %arg13[%dma_start3A_182, %dma_start3A_183] : memref<10240x128xf32, #tpu.memory_space<vmem_shared>> -> memref<10240x128xf32, #tpu.memory_space<vmem_shared>>
      tpu.enqueue_indirect_dma source(%arg11 : memref<64x128xf32, #tpu.memory_space<vmem>>) target(%dma_start3A_184 : memref<10240x128xf32, #tpu.memory_space<vmem_shared>>) offsets(%dma_start3A_181 : memref<64xi32, #tpu.memory_space<vmem>>) semaphore(%run_scoped3A_178 : memref<!tpu.dma_semaphore, #tpu.memory_space<semaphore_mem>>) {add = true}
      %dma_wait3A_185 = arith.constant 0 : i32
      %dma_wait3A_186 = tpu.memref_slice %arg7[%run_scoped3A_89, %dma_wait3A_185] : memref<80x64xi32, #tpu.memory_space<vmem>> -> memref<1x64xi32, #tpu.memory_space<vmem>>
      %dma_wait3A_187 = tpu.memref_squeeze %dma_wait3A_186 : memref<1x64xi32, #tpu.memory_space<vmem>> -> memref<64xi32, #tpu.memory_space<vmem>>
      %dma_wait3A_188 = arith.constant 0 : i32
      %dma_wait3A_189 = arith.constant 0 : i32
      %dma_wait3A_190 = tpu.memref_slice %arg13[%dma_wait3A_188, %dma_wait3A_189] : memref<10240x128xf32, #tpu.memory_space<vmem_shared>> -> memref<10240x128xf32, #tpu.memory_space<vmem_shared>>
      tpu.wait_indirect_dma semaphore(%run_scoped3A_178 : memref<!tpu.dma_semaphore, #tpu.memory_space<semaphore_mem>>) src(%arg11 : memref<64x128xf32, #tpu.memory_space<vmem>>) dst(%dma_wait3A_190 : memref<10240x128xf32, #tpu.memory_space<vmem_shared>>)
      tpu.yield
    }) : () -> ()
    %mul3A_90 = arith.constant 2 : i32
    %mul3A_91 = arith.muli %arg1, %mul3A_90 : i32
    %add3A_92 = arith.constant 1 : i32
    %add3A_93 = arith.addi %mul3A_91, %add3A_92 : i32
    %mul3A_94 = arith.constant 80 : i32
    %mul3A_95 = arith.muli %add3A_93, %mul3A_94 : i32
    "tpu.region"() ({
      %run_scoped3A_178 = tpu.sem_alloc : memref<!tpu.dma_semaphore, #tpu.memory_space<semaphore_mem>>
      %dma_start3A_179 = arith.constant 0 : i32
      %dma_start3A_180 = tpu.memref_slice %arg3[%mul3A_95, %dma_start3A_179] : memref<2560x64xi32, #tpu.memory_space<hbm>> -> memref<80x64xi32, #tpu.memory_space<hbm>>
      %dma_start3A_181 = arith.constant 0 : i32
      %dma_start3A_182 = tpu.memref_slice %arg3[%mul3A_95, %dma_start3A_181] : memref<2560x64xi32, #tpu.memory_space<hbm>> -> memref<80x64xi32, #tpu.memory_space<hbm>>
      tpu.enqueue_dma source(%dma_start3A_182 : memref<80x64xi32, #tpu.memory_space<hbm>>) target(%arg7 : memref<80x64xi32, #tpu.memory_space<vmem>>) target_semaphore(%run_scoped3A_178 : memref<!tpu.dma_semaphore, #tpu.memory_space<semaphore_mem>>)
      %dma_wait3A_183 = arith.constant 0 : i32
      %dma_wait3A_184 = tpu.memref_slice %arg3[%mul3A_95, %dma_wait3A_183] : memref<2560x64xi32, #tpu.memory_space<hbm>> -> memref<80x64xi32, #tpu.memory_space<hbm>>
      %dma_wait3A_185 = arith.constant 0 : i32
      %dma_wait3A_186 = tpu.memref_slice %arg3[%mul3A_95, %dma_wait3A_185] : memref<2560x64xi32, #tpu.memory_space<hbm>> -> memref<80x64xi32, #tpu.memory_space<hbm>>
      tpu.wait_dma2 semaphore(%run_scoped3A_178 : memref<!tpu.dma_semaphore, #tpu.memory_space<semaphore_mem>>) src(%dma_wait3A_186 : memref<80x64xi32, #tpu.memory_space<hbm>>) dst(%arg7 : memref<80x64xi32, #tpu.memory_space<vmem>>)
      tpu.yield
    }) : () -> ()
    "tpu.region"() ({
      %run_scoped3A_178 = tpu.sem_alloc : memref<!tpu.dma_semaphore, #tpu.memory_space<semaphore_mem>>
      %dma_start3A_179 = arith.constant 0 : i32
      %dma_start3A_180 = tpu.memref_slice %arg2[%mul3A_95, %dma_start3A_179] : memref<2560x64xi32, #tpu.memory_space<hbm>> -> memref<80x64xi32, #tpu.memory_space<hbm>>
      %dma_start3A_181 = arith.constant 0 : i32
      %dma_start3A_182 = tpu.memref_slice %arg2[%mul3A_95, %dma_start3A_181] : memref<2560x64xi32, #tpu.memory_space<hbm>> -> memref<80x64xi32, #tpu.memory_space<hbm>>
      tpu.enqueue_dma source(%dma_start3A_182 : memref<80x64xi32, #tpu.memory_space<hbm>>) target(%arg6 : memref<80x64xi32, #tpu.memory_space<vmem>>) target_semaphore(%run_scoped3A_178 : memref<!tpu.dma_semaphore, #tpu.memory_space<semaphore_mem>>)
      %dma_wait3A_183 = arith.constant 0 : i32
      %dma_wait3A_184 = tpu.memref_slice %arg2[%mul3A_95, %dma_wait3A_183] : memref<2560x64xi32, #tpu.memory_space<hbm>> -> memref<80x64xi32, #tpu.memory_space<hbm>>
      %dma_wait3A_185 = arith.constant 0 : i32
      %dma_wait3A_186 = tpu.memref_slice %arg2[%mul3A_95, %dma_wait3A_185] : memref<2560x64xi32, #tpu.memory_space<hbm>> -> memref<80x64xi32, #tpu.memory_space<hbm>>
      tpu.wait_dma2 semaphore(%run_scoped3A_178 : memref<!tpu.dma_semaphore, #tpu.memory_space<semaphore_mem>>) src(%dma_wait3A_186 : memref<80x64xi32, #tpu.memory_space<hbm>>) dst(%arg6 : memref<80x64xi32, #tpu.memory_space<vmem>>)
      tpu.yield
    }) : () -> ()
    %scan3A_96 = arith.constant 0 : i32
    %scan3A_97 = arith.constant 0 : i32
    %scan3A_98 = arith.constant 320 : i32
    %scan3A_99 = arith.addi %scan3A_97, %scan3A_98 : i32
    %scan3A_100 = arith.constant 1 : i32
    %scan3A_101 = scf.for %scan3A_178 = %scan3A_97 to %scan3A_99 step %scan3A_100 iter_args(%scan3A_179 = %scan3A_96) -> (i32)  : i32 {
      %jit3A = arith.constant 4 : i32
      %div3A = arith.divsi %scan3A_178, %jit3A : i32
      %sign3A = arith.constant 0 : i32
      %sign3A_180 = arith.cmpi sgt, %scan3A_178, %sign3A : i32
      %sign3A_181 = arith.extui %sign3A_180 : i1 to i32
      %sign3A_182 = arith.constant 0 : i32
      %sign3A_183 = arith.cmpi slt, %scan3A_178, %sign3A_182 : i32
      %sign3A_184 = arith.extui %sign3A_183 : i1 to i32
      %sign3A_185 = arith.subi %sign3A_181, %sign3A_184 : i32
      %sign3A_186 = arith.constant 0 : i32
      %sign3A_187 = arith.cmpi sgt, %jit3A, %sign3A_186 : i32
      %sign3A_188 = arith.extui %sign3A_187 : i1 to i32
      %sign3A_189 = arith.constant 0 : i32
      %sign3A_190 = arith.cmpi slt, %jit3A, %sign3A_189 : i32
      %sign3A_191 = arith.extui %sign3A_190 : i1 to i32
      %sign3A_192 = arith.subi %sign3A_188, %sign3A_191 : i32
      %ne3A = arith.cmpi ne, %sign3A_185, %sign3A_192 : i32
      %rem3A = arith.remsi %scan3A_178, %jit3A : i32
      %ne3A_193 = arith.constant 0 : i32
      %ne3A_194 = arith.cmpi ne, %rem3A, %ne3A_193 : i32
      %and3A = arith.andi %ne3A, %ne3A_194 : i1
      %sub3A = arith.constant 1 : i32
      %sub3A_195 = arith.subi %div3A, %sub3A : i32
      %select_n3A = arith.select %and3A, %sub3A_195, %div3A : i32
      %jit3A_196 = arith.constant 4 : i32
      %eq3A = arith.constant 0 : i32
      %eq3A_197 = arith.cmpi eq, %jit3A_196, %eq3A : i32
      %jit3A_198 = arith.constant 1 : i32
      %select_n3A_199 = arith.select %eq3A_197, %jit3A_198, %jit3A_196 : i32
      %rem3A_200 = arith.remsi %scan3A_178, %select_n3A_199 : i32
      %ne3A_201 = arith.constant 0 : i32
      %ne3A_202 = arith.cmpi ne, %rem3A_200, %ne3A_201 : i32
      %lt3A = arith.constant 0 : i32
      %lt3A_203 = arith.cmpi slt, %rem3A_200, %lt3A : i32
      %lt3A_204 = arith.constant 0 : i32
      %lt3A_205 = arith.cmpi slt, %select_n3A_199, %lt3A_204 : i32
      %ne3A_206 = arith.xori %lt3A_203, %lt3A_205 : i1
      %and3A_207 = arith.andi %ne3A_206, %ne3A_202 : i1
      %add3A_208 = arith.addi %rem3A_200, %select_n3A_199 : i32
      %select_n3A_209 = arith.select %and3A_207, %add3A_208, %rem3A_200 : i32
      %mul3A_210 = arith.constant 16 : i32
      %mul3A_211 = arith.muli %select_n3A_209, %mul3A_210 : i32
      %get3A = arith.index_cast %select_n3A : i32 to index
      %get3A_212 = arith.index_cast %mul3A_211 : i32 to index
      %get3A_213 = tpu.vector_load %arg6[%get3A, %get3A_212] {strides = array<i32>} : memref<80x64xi32, #tpu.memory_space<vmem>>, vector<1x16xi32>,
      %get3A_214 = vector.shape_cast %get3A_213 : vector<1x16xi32> to vector<16xi32>
      %add3A_215 = vector.broadcast %mul3A_13 : i32 to vector<16xi32>
      %add3A_216 = arith.addi %get3A_214, %add3A_215 : vector<16xi32>
      %mul3A_217 = arith.constant 16 : i32
      %mul3A_218 = arith.muli %select_n3A_209, %mul3A_217 : i32
      %swap3A = arith.index_cast %select_n3A : i32 to index
      %swap3A_219 = arith.index_cast %mul3A_218 : i32 to index
      %swap3A_220 = tpu.vector_load %arg6[%swap3A, %swap3A_219] {strides = array<i32>} : memref<80x64xi32, #tpu.memory_space<vmem>>, vector<1x16xi32>,
      %swap3A_221 = vector.shape_cast %swap3A_220 : vector<1x16xi32> to vector<16xi32>
      %swap3A_222 = vector.shape_cast %add3A_216 : vector<16xi32> to vector<1x16xi32>
      tpu.vector_store %arg6[%swap3A, %swap3A_219], %swap3A_222 {strides = array<i32>} : memref<80x64xi32, #tpu.memory_space<vmem>>, vector<1x16xi32>,
      %scan3A_223 = arith.constant 0 : i32
      scf.yield %scan3A_223 : i32
    }
    %scan3A_102 = arith.constant 320 : i32
    %dma_start3A_103 = arith.constant 0 : i32
    %dma_start3A_104 = arith.constant 0 : i32
    %dma_start3A_105 = tpu.memref_slice %arg6[%dma_start3A_103, %dma_start3A_104] : memref<80x64xi32, #tpu.memory_space<vmem>> -> memref<1x64xi32, #tpu.memory_space<vmem>>
    %dma_start3A_106 = tpu.memref_squeeze %dma_start3A_105 : memref<1x64xi32, #tpu.memory_space<vmem>> -> memref<64xi32, #tpu.memory_space<vmem>>
    %dma_start3A_107 = arith.constant 0 : i32
    %dma_start3A_108 = arith.constant 0 : i32
    %dma_start3A_109 = tpu.memref_slice %arg4[%dma_start3A_107, %dma_start3A_108] : memref<20000x128xf32, #tpu.memory_space<hbm>> -> memref<20000x128xf32, #tpu.memory_space<hbm>>
    tpu.enqueue_indirect_dma source(%dma_start3A_109 : memref<20000x128xf32, #tpu.memory_space<hbm>>) target(%arg8 : memref<64x128xf32, #tpu.memory_space<vmem>>) offsets(%dma_start3A_106 : memref<64xi32, #tpu.memory_space<vmem>>) semaphore(%arg14 : memref<!tpu.dma_semaphore, #tpu.memory_space<semaphore_mem>>)
    %dma_start3A_110 = arith.constant 1 : i32
    %dma_start3A_111 = arith.constant 0 : i32
    %dma_start3A_112 = tpu.memref_slice %arg6[%dma_start3A_110, %dma_start3A_111] : memref<80x64xi32, #tpu.memory_space<vmem>> -> memref<1x64xi32, #tpu.memory_space<vmem>>
    %dma_start3A_113 = tpu.memref_squeeze %dma_start3A_112 : memref<1x64xi32, #tpu.memory_space<vmem>> -> memref<64xi32, #tpu.memory_space<vmem>>
    %dma_start3A_114 = arith.constant 0 : i32
    %dma_start3A_115 = arith.constant 0 : i32
    %dma_start3A_116 = tpu.memref_slice %arg4[%dma_start3A_114, %dma_start3A_115] : memref<20000x128xf32, #tpu.memory_space<hbm>> -> memref<20000x128xf32, #tpu.memory_space<hbm>>
    tpu.enqueue_indirect_dma source(%dma_start3A_116 : memref<20000x128xf32, #tpu.memory_space<hbm>>) target(%arg9 : memref<64x128xf32, #tpu.memory_space<vmem>>) offsets(%dma_start3A_113 : memref<64xi32, #tpu.memory_space<vmem>>) semaphore(%arg15 : memref<!tpu.dma_semaphore, #tpu.memory_space<semaphore_mem>>)
    %dma_start3A_117 = arith.constant 2 : i32
    %dma_start3A_118 = arith.constant 0 : i32
    %dma_start3A_119 = tpu.memref_slice %arg6[%dma_start3A_117, %dma_start3A_118] : memref<80x64xi32, #tpu.memory_space<vmem>> -> memref<1x64xi32, #tpu.memory_space<vmem>>
    %dma_start3A_120 = tpu.memref_squeeze %dma_start3A_119 : memref<1x64xi32, #tpu.memory_space<vmem>> -> memref<64xi32, #tpu.memory_space<vmem>>
    %dma_start3A_121 = arith.constant 0 : i32
    %dma_start3A_122 = arith.constant 0 : i32
    %dma_start3A_123 = tpu.memref_slice %arg4[%dma_start3A_121, %dma_start3A_122] : memref<20000x128xf32, #tpu.memory_space<hbm>> -> memref<20000x128xf32, #tpu.memory_space<hbm>>
    tpu.enqueue_indirect_dma source(%dma_start3A_123 : memref<20000x128xf32, #tpu.memory_space<hbm>>) target(%arg10 : memref<64x128xf32, #tpu.memory_space<vmem>>) offsets(%dma_start3A_120 : memref<64xi32, #tpu.memory_space<vmem>>) semaphore(%arg16 : memref<!tpu.dma_semaphore, #tpu.memory_space<semaphore_mem>>)
    %dma_start3A_124 = arith.constant 3 : i32
    %dma_start3A_125 = arith.constant 0 : i32
    %dma_start3A_126 = tpu.memref_slice %arg6[%dma_start3A_124, %dma_start3A_125] : memref<80x64xi32, #tpu.memory_space<vmem>> -> memref<1x64xi32, #tpu.memory_space<vmem>>
    %dma_start3A_127 = tpu.memref_squeeze %dma_start3A_126 : memref<1x64xi32, #tpu.memory_space<vmem>> -> memref<64xi32, #tpu.memory_space<vmem>>
    %dma_start3A_128 = arith.constant 0 : i32
    %dma_start3A_129 = arith.constant 0 : i32
    %dma_start3A_130 = tpu.memref_slice %arg4[%dma_start3A_128, %dma_start3A_129] : memref<20000x128xf32, #tpu.memory_space<hbm>> -> memref<20000x128xf32, #tpu.memory_space<hbm>>
    tpu.enqueue_indirect_dma source(%dma_start3A_130 : memref<20000x128xf32, #tpu.memory_space<hbm>>) target(%arg11 : memref<64x128xf32, #tpu.memory_space<vmem>>) offsets(%dma_start3A_127 : memref<64xi32, #tpu.memory_space<vmem>>) semaphore(%arg17 : memref<!tpu.dma_semaphore, #tpu.memory_space<semaphore_mem>>)
    %scan3A_131 = arith.constant 0 : i32
    %scan3A_132 = arith.constant 0 : i32
    %scan3A_133 = arith.constant 19 : i32
    %scan3A_134 = arith.addi %scan3A_132, %scan3A_133 : i32
    %scan3A_135 = arith.constant 1 : i32
    %scan3A_136 = scf.for %scan3A_178 = %scan3A_132 to %scan3A_134 step %scan3A_135 iter_args(%scan3A_179 = %scan3A_131) -> (i32)  : i32 {
      %mul3A_180 = arith.constant 4 : i32
      %mul3A_181 = arith.muli %mul3A_180, %scan3A_178 : i32
      %add3A_182 = arith.constant 0 : i32
      %add3A_183 = arith.addi %mul3A_181, %add3A_182 : i32
      %dma_wait3A_184 = arith.constant 0 : i32
      %dma_wait3A_185 = tpu.memref_slice %arg6[%add3A_183, %dma_wait3A_184] : memref<80x64xi32, #tpu.memory_space<vmem>> -> memref<1x64xi32, #tpu.memory_space<vmem>>
      %dma_wait3A_186 = tpu.memref_squeeze %dma_wait3A_185 : memref<1x64xi32, #tpu.memory_space<vmem>> -> memref<64xi32, #tpu.memory_space<vmem>>
      %dma_wait3A_187 = arith.constant 0 : i32
      %dma_wait3A_188 = arith.constant 0 : i32
      %dma_wait3A_189 = tpu.memref_slice %arg4[%dma_wait3A_187, %dma_wait3A_188] : memref<20000x128xf32, #tpu.memory_space<hbm>> -> memref<20000x128xf32, #tpu.memory_space<hbm>>
      tpu.wait_indirect_dma semaphore(%arg14 : memref<!tpu.dma_semaphore, #tpu.memory_space<semaphore_mem>>) src(%dma_wait3A_189 : memref<20000x128xf32, #tpu.memory_space<hbm>>) dst(%arg8 : memref<64x128xf32, #tpu.memory_space<vmem>>)
      %add3A_190 = arith.constant 0 : i32
      %add3A_191 = arith.addi %mul3A_181, %add3A_190 : i32
      "tpu.region"() ({
        %run_scoped3A_263 = tpu.sem_alloc : memref<!tpu.dma_semaphore, #tpu.memory_space<semaphore_mem>>
        %dma_start3A_264 = arith.constant 0 : i32
        %dma_start3A_265 = tpu.memref_slice %arg7[%add3A_191, %dma_start3A_264] : memref<80x64xi32, #tpu.memory_space<vmem>> -> memref<1x64xi32, #tpu.memory_space<vmem>>
        %dma_start3A_266 = tpu.memref_squeeze %dma_start3A_265 : memref<1x64xi32, #tpu.memory_space<vmem>> -> memref<64xi32, #tpu.memory_space<vmem>>
        %dma_start3A_267 = arith.constant 0 : i32
        %dma_start3A_268 = arith.constant 0 : i32
        %dma_start3A_269 = tpu.memref_slice %arg13[%dma_start3A_267, %dma_start3A_268] : memref<10240x128xf32, #tpu.memory_space<vmem_shared>> -> memref<10240x128xf32, #tpu.memory_space<vmem_shared>>
        tpu.enqueue_indirect_dma source(%arg8 : memref<64x128xf32, #tpu.memory_space<vmem>>) target(%dma_start3A_269 : memref<10240x128xf32, #tpu.memory_space<vmem_shared>>) offsets(%dma_start3A_266 : memref<64xi32, #tpu.memory_space<vmem>>) semaphore(%run_scoped3A_263 : memref<!tpu.dma_semaphore, #tpu.memory_space<semaphore_mem>>) {add = true}
        %dma_wait3A_270 = arith.constant 0 : i32
        %dma_wait3A_271 = tpu.memref_slice %arg7[%add3A_191, %dma_wait3A_270] : memref<80x64xi32, #tpu.memory_space<vmem>> -> memref<1x64xi32, #tpu.memory_space<vmem>>
        %dma_wait3A_272 = tpu.memref_squeeze %dma_wait3A_271 : memref<1x64xi32, #tpu.memory_space<vmem>> -> memref<64xi32, #tpu.memory_space<vmem>>
        %dma_wait3A_273 = arith.constant 0 : i32
        %dma_wait3A_274 = arith.constant 0 : i32
        %dma_wait3A_275 = tpu.memref_slice %arg13[%dma_wait3A_273, %dma_wait3A_274] : memref<10240x128xf32, #tpu.memory_space<vmem_shared>> -> memref<10240x128xf32, #tpu.memory_space<vmem_shared>>
        tpu.wait_indirect_dma semaphore(%run_scoped3A_263 : memref<!tpu.dma_semaphore, #tpu.memory_space<semaphore_mem>>) src(%arg8 : memref<64x128xf32, #tpu.memory_space<vmem>>) dst(%dma_wait3A_275 : memref<10240x128xf32, #tpu.memory_space<vmem_shared>>)
        tpu.yield
      }) : () -> ()
      %add3A_192 = arith.constant 0 : i32
      %add3A_193 = arith.addi %mul3A_181, %add3A_192 : i32
      %add3A_194 = arith.constant 4 : i32
      %add3A_195 = arith.addi %add3A_193, %add3A_194 : i32
      %dma_start3A_196 = arith.constant 0 : i32
      %dma_start3A_197 = tpu.memref_slice %arg6[%add3A_195, %dma_start3A_196] : memref<80x64xi32, #tpu.memory_space<vmem>> -> memref<1x64xi32, #tpu.memory_space<vmem>>
      %dma_start3A_198 = tpu.memref_squeeze %dma_start3A_197 : memref<1x64xi32, #tpu.memory_space<vmem>> -> memref<64xi32, #tpu.memory_space<vmem>>
      %dma_start3A_199 = arith.constant 0 : i32
      %dma_start3A_200 = arith.constant 0 : i32
      %dma_start3A_201 = tpu.memref_slice %arg4[%dma_start3A_199, %dma_start3A_200] : memref<20000x128xf32, #tpu.memory_space<hbm>> -> memref<20000x128xf32, #tpu.memory_space<hbm>>
      tpu.enqueue_indirect_dma source(%dma_start3A_201 : memref<20000x128xf32, #tpu.memory_space<hbm>>) target(%arg8 : memref<64x128xf32, #tpu.memory_space<vmem>>) offsets(%dma_start3A_198 : memref<64xi32, #tpu.memory_space<vmem>>) semaphore(%arg14 : memref<!tpu.dma_semaphore, #tpu.memory_space<semaphore_mem>>)
      %add3A_202 = arith.constant 1 : i32
      %add3A_203 = arith.addi %mul3A_181, %add3A_202 : i32
      %dma_wait3A_204 = arith.constant 0 : i32
      %dma_wait3A_205 = tpu.memref_slice %arg6[%add3A_203, %dma_wait3A_204] : memref<80x64xi32, #tpu.memory_space<vmem>> -> memref<1x64xi32, #tpu.memory_space<vmem>>
      %dma_wait3A_206 = tpu.memref_squeeze %dma_wait3A_205 : memref<1x64xi32, #tpu.memory_space<vmem>> -> memref<64xi32, #tpu.memory_space<vmem>>
      %dma_wait3A_207 = arith.constant 0 : i32
      %dma_wait3A_208 = arith.constant 0 : i32
      %dma_wait3A_209 = tpu.memref_slice %arg4[%dma_wait3A_207, %dma_wait3A_208] : memref<20000x128xf32, #tpu.memory_space<hbm>> -> memref<20000x128xf32, #tpu.memory_space<hbm>>
      tpu.wait_indirect_dma semaphore(%arg15 : memref<!tpu.dma_semaphore, #tpu.memory_space<semaphore_mem>>) src(%dma_wait3A_209 : memref<20000x128xf32, #tpu.memory_space<hbm>>) dst(%arg9 : memref<64x128xf32, #tpu.memory_space<vmem>>)
      %add3A_210 = arith.constant 1 : i32
      %add3A_211 = arith.addi %mul3A_181, %add3A_210 : i32
      "tpu.region"() ({
        %run_scoped3A_263 = tpu.sem_alloc : memref<!tpu.dma_semaphore, #tpu.memory_space<semaphore_mem>>
        %dma_start3A_264 = arith.constant 0 : i32
        %dma_start3A_265 = tpu.memref_slice %arg7[%add3A_211, %dma_start3A_264] : memref<80x64xi32, #tpu.memory_space<vmem>> -> memref<1x64xi32, #tpu.memory_space<vmem>>
        %dma_start3A_266 = tpu.memref_squeeze %dma_start3A_265 : memref<1x64xi32, #tpu.memory_space<vmem>> -> memref<64xi32, #tpu.memory_space<vmem>>
        %dma_start3A_267 = arith.constant 0 : i32
        %dma_start3A_268 = arith.constant 0 : i32
        %dma_start3A_269 = tpu.memref_slice %arg13[%dma_start3A_267, %dma_start3A_268] : memref<10240x128xf32, #tpu.memory_space<vmem_shared>> -> memref<10240x128xf32, #tpu.memory_space<vmem_shared>>
        tpu.enqueue_indirect_dma source(%arg9 : memref<64x128xf32, #tpu.memory_space<vmem>>) target(%dma_start3A_269 : memref<10240x128xf32, #tpu.memory_space<vmem_shared>>) offsets(%dma_start3A_266 : memref<64xi32, #tpu.memory_space<vmem>>) semaphore(%run_scoped3A_263 : memref<!tpu.dma_semaphore, #tpu.memory_space<semaphore_mem>>) {add = true}
        %dma_wait3A_270 = arith.constant 0 : i32
        %dma_wait3A_271 = tpu.memref_slice %arg7[%add3A_211, %dma_wait3A_270] : memref<80x64xi32, #tpu.memory_space<vmem>> -> memref<1x64xi32, #tpu.memory_space<vmem>>
        %dma_wait3A_272 = tpu.memref_squeeze %dma_wait3A_271 : memref<1x64xi32, #tpu.memory_space<vmem>> -> memref<64xi32, #tpu.memory_space<vmem>>
        %dma_wait3A_273 = arith.constant 0 : i32
        %dma_wait3A_274 = arith.constant 0 : i32
        %dma_wait3A_275 = tpu.memref_slice %arg13[%dma_wait3A_273, %dma_wait3A_274] : memref<10240x128xf32, #tpu.memory_space<vmem_shared>> -> memref<10240x128xf32, #tpu.memory_space<vmem_shared>>
        tpu.wait_indirect_dma semaphore(%run_scoped3A_263 : memref<!tpu.dma_semaphore, #tpu.memory_space<semaphore_mem>>) src(%arg9 : memref<64x128xf32, #tpu.memory_space<vmem>>) dst(%dma_wait3A_275 : memref<10240x128xf32, #tpu.memory_space<vmem_shared>>)
        tpu.yield
      }) : () -> ()
      %add3A_212 = arith.constant 1 : i32
      %add3A_213 = arith.addi %mul3A_181, %add3A_212 : i32
      %add3A_214 = arith.constant 4 : i32
      %add3A_215 = arith.addi %add3A_213, %add3A_214 : i32
      %dma_start3A_216 = arith.constant 0 : i32
      %dma_start3A_217 = tpu.memref_slice %arg6[%add3A_215, %dma_start3A_216] : memref<80x64xi32, #tpu.memory_space<vmem>> -> memref<1x64xi32, #tpu.memory_space<vmem>>
      %dma_start3A_218 = tpu.memref_squeeze %dma_start3A_217 : memref<1x64xi32, #tpu.memory_space<vmem>> -> memref<64xi32, #tpu.memory_space<vmem>>
      %dma_start3A_219 = arith.constant 0 : i32
      %dma_start3A_220 = arith.constant 0 : i32
      %dma_start3A_221 = tpu.memref_slice %arg4[%dma_start3A_219, %dma_start3A_220] : memref<20000x128xf32, #tpu.memory_space<hbm>> -> memref<20000x128xf32, #tpu.memory_space<hbm>>
      tpu.enqueue_indirect_dma source(%dma_start3A_221 : memref<20000x128xf32, #tpu.memory_space<hbm>>) target(%arg9 : memref<64x128xf32, #tpu.memory_space<vmem>>) offsets(%dma_start3A_218 : memref<64xi32, #tpu.memory_space<vmem>>) semaphore(%arg15 : memref<!tpu.dma_semaphore, #tpu.memory_space<semaphore_mem>>)
      %add3A_222 = arith.constant 2 : i32
      %add3A_223 = arith.addi %mul3A_181, %add3A_222 : i32
      %dma_wait3A_224 = arith.constant 0 : i32
      %dma_wait3A_225 = tpu.memref_slice %arg6[%add3A_223, %dma_wait3A_224] : memref<80x64xi32, #tpu.memory_space<vmem>> -> memref<1x64xi32, #tpu.memory_space<vmem>>
      %dma_wait3A_226 = tpu.memref_squeeze %dma_wait3A_225 : memref<1x64xi32, #tpu.memory_space<vmem>> -> memref<64xi32, #tpu.memory_space<vmem>>
      %dma_wait3A_227 = arith.constant 0 : i32
      %dma_wait3A_228 = arith.constant 0 : i32
      %dma_wait3A_229 = tpu.memref_slice %arg4[%dma_wait3A_227, %dma_wait3A_228] : memref<20000x128xf32, #tpu.memory_space<hbm>> -> memref<20000x128xf32, #tpu.memory_space<hbm>>
      tpu.wait_indirect_dma semaphore(%arg16 : memref<!tpu.dma_semaphore, #tpu.memory_space<semaphore_mem>>) src(%dma_wait3A_229 : memref<20000x128xf32, #tpu.memory_space<hbm>>) dst(%arg10 : memref<64x128xf32, #tpu.memory_space<vmem>>)
      %add3A_230 = arith.constant 2 : i32
      %add3A_231 = arith.addi %mul3A_181, %add3A_230 : i32
      "tpu.region"() ({
        %run_scoped3A_263 = tpu.sem_alloc : memref<!tpu.dma_semaphore, #tpu.memory_space<semaphore_mem>>
        %dma_start3A_264 = arith.constant 0 : i32
        %dma_start3A_265 = tpu.memref_slice %arg7[%add3A_231, %dma_start3A_264] : memref<80x64xi32, #tpu.memory_space<vmem>> -> memref<1x64xi32, #tpu.memory_space<vmem>>
        %dma_start3A_266 = tpu.memref_squeeze %dma_start3A_265 : memref<1x64xi32, #tpu.memory_space<vmem>> -> memref<64xi32, #tpu.memory_space<vmem>>
        %dma_start3A_267 = arith.constant 0 : i32
        %dma_start3A_268 = arith.constant 0 : i32
        %dma_start3A_269 = tpu.memref_slice %arg13[%dma_start3A_267, %dma_start3A_268] : memref<10240x128xf32, #tpu.memory_space<vmem_shared>> -> memref<10240x128xf32, #tpu.memory_space<vmem_shared>>
        tpu.enqueue_indirect_dma source(%arg10 : memref<64x128xf32, #tpu.memory_space<vmem>>) target(%dma_start3A_269 : memref<10240x128xf32, #tpu.memory_space<vmem_shared>>) offsets(%dma_start3A_266 : memref<64xi32, #tpu.memory_space<vmem>>) semaphore(%run_scoped3A_263 : memref<!tpu.dma_semaphore, #tpu.memory_space<semaphore_mem>>) {add = true}
        %dma_wait3A_270 = arith.constant 0 : i32
        %dma_wait3A_271 = tpu.memref_slice %arg7[%add3A_231, %dma_wait3A_270] : memref<80x64xi32, #tpu.memory_space<vmem>> -> memref<1x64xi32, #tpu.memory_space<vmem>>
        %dma_wait3A_272 = tpu.memref_squeeze %dma_wait3A_271 : memref<1x64xi32, #tpu.memory_space<vmem>> -> memref<64xi32, #tpu.memory_space<vmem>>
        %dma_wait3A_273 = arith.constant 0 : i32
        %dma_wait3A_274 = arith.constant 0 : i32
        %dma_wait3A_275 = tpu.memref_slice %arg13[%dma_wait3A_273, %dma_wait3A_274] : memref<10240x128xf32, #tpu.memory_space<vmem_shared>> -> memref<10240x128xf32, #tpu.memory_space<vmem_shared>>
        tpu.wait_indirect_dma semaphore(%run_scoped3A_263 : memref<!tpu.dma_semaphore, #tpu.memory_space<semaphore_mem>>) src(%arg10 : memref<64x128xf32, #tpu.memory_space<vmem>>) dst(%dma_wait3A_275 : memref<10240x128xf32, #tpu.memory_space<vmem_shared>>)
        tpu.yield
      }) : () -> ()
      %add3A_232 = arith.constant 2 : i32
      %add3A_233 = arith.addi %mul3A_181, %add3A_232 : i32
      %add3A_234 = arith.constant 4 : i32
      %add3A_235 = arith.addi %add3A_233, %add3A_234 : i32
      %dma_start3A_236 = arith.constant 0 : i32
      %dma_start3A_237 = tpu.memref_slice %arg6[%add3A_235, %dma_start3A_236] : memref<80x64xi32, #tpu.memory_space<vmem>> -> memref<1x64xi32, #tpu.memory_space<vmem>>
      %dma_start3A_238 = tpu.memref_squeeze %dma_start3A_237 : memref<1x64xi32, #tpu.memory_space<vmem>> -> memref<64xi32, #tpu.memory_space<vmem>>
      %dma_start3A_239 = arith.constant 0 : i32
      %dma_start3A_240 = arith.constant 0 : i32
      %dma_start3A_241 = tpu.memref_slice %arg4[%dma_start3A_239, %dma_start3A_240] : memref<20000x128xf32, #tpu.memory_space<hbm>> -> memref<20000x128xf32, #tpu.memory_space<hbm>>
      tpu.enqueue_indirect_dma source(%dma_start3A_241 : memref<20000x128xf32, #tpu.memory_space<hbm>>) target(%arg10 : memref<64x128xf32, #tpu.memory_space<vmem>>) offsets(%dma_start3A_238 : memref<64xi32, #tpu.memory_space<vmem>>) semaphore(%arg16 : memref<!tpu.dma_semaphore, #tpu.memory_space<semaphore_mem>>)
      %add3A_242 = arith.constant 3 : i32
      %add3A_243 = arith.addi %mul3A_181, %add3A_242 : i32
      %dma_wait3A_244 = arith.constant 0 : i32
      %dma_wait3A_245 = tpu.memref_slice %arg6[%add3A_243, %dma_wait3A_244] : memref<80x64xi32, #tpu.memory_space<vmem>> -> memref<1x64xi32, #tpu.memory_space<vmem>>
      %dma_wait3A_246 = tpu.memref_squeeze %dma_wait3A_245 : memref<1x64xi32, #tpu.memory_space<vmem>> -> memref<64xi32, #tpu.memory_space<vmem>>
      %dma_wait3A_247 = arith.constant 0 : i32
      %dma_wait3A_248 = arith.constant 0 : i32
      %dma_wait3A_249 = tpu.memref_slice %arg4[%dma_wait3A_247, %dma_wait3A_248] : memref<20000x128xf32, #tpu.memory_space<hbm>> -> memref<20000x128xf32, #tpu.memory_space<hbm>>
      tpu.wait_indirect_dma semaphore(%arg17 : memref<!tpu.dma_semaphore, #tpu.memory_space<semaphore_mem>>) src(%dma_wait3A_249 : memref<20000x128xf32, #tpu.memory_space<hbm>>) dst(%arg11 : memref<64x128xf32, #tpu.memory_space<vmem>>)
      %add3A_250 = arith.constant 3 : i32
      %add3A_251 = arith.addi %mul3A_181, %add3A_250 : i32
      "tpu.region"() ({
        %run_scoped3A_263 = tpu.sem_alloc : memref<!tpu.dma_semaphore, #tpu.memory_space<semaphore_mem>>
        %dma_start3A_264 = arith.constant 0 : i32
        %dma_start3A_265 = tpu.memref_slice %arg7[%add3A_251, %dma_start3A_264] : memref<80x64xi32, #tpu.memory_space<vmem>> -> memref<1x64xi32, #tpu.memory_space<vmem>>
        %dma_start3A_266 = tpu.memref_squeeze %dma_start3A_265 : memref<1x64xi32, #tpu.memory_space<vmem>> -> memref<64xi32, #tpu.memory_space<vmem>>
        %dma_start3A_267 = arith.constant 0 : i32
        %dma_start3A_268 = arith.constant 0 : i32
        %dma_start3A_269 = tpu.memref_slice %arg13[%dma_start3A_267, %dma_start3A_268] : memref<10240x128xf32, #tpu.memory_space<vmem_shared>> -> memref<10240x128xf32, #tpu.memory_space<vmem_shared>>
        tpu.enqueue_indirect_dma source(%arg11 : memref<64x128xf32, #tpu.memory_space<vmem>>) target(%dma_start3A_269 : memref<10240x128xf32, #tpu.memory_space<vmem_shared>>) offsets(%dma_start3A_266 : memref<64xi32, #tpu.memory_space<vmem>>) semaphore(%run_scoped3A_263 : memref<!tpu.dma_semaphore, #tpu.memory_space<semaphore_mem>>) {add = true}
        %dma_wait3A_270 = arith.constant 0 : i32
        %dma_wait3A_271 = tpu.memref_slice %arg7[%add3A_251, %dma_wait3A_270] : memref<80x64xi32, #tpu.memory_space<vmem>> -> memref<1x64xi32, #tpu.memory_space<vmem>>
        %dma_wait3A_272 = tpu.memref_squeeze %dma_wait3A_271 : memref<1x64xi32, #tpu.memory_space<vmem>> -> memref<64xi32, #tpu.memory_space<vmem>>
        %dma_wait3A_273 = arith.constant 0 : i32
        %dma_wait3A_274 = arith.constant 0 : i32
        %dma_wait3A_275 = tpu.memref_slice %arg13[%dma_wait3A_273, %dma_wait3A_274] : memref<10240x128xf32, #tpu.memory_space<vmem_shared>> -> memref<10240x128xf32, #tpu.memory_space<vmem_shared>>
        tpu.wait_indirect_dma semaphore(%run_scoped3A_263 : memref<!tpu.dma_semaphore, #tpu.memory_space<semaphore_mem>>) src(%arg11 : memref<64x128xf32, #tpu.memory_space<vmem>>) dst(%dma_wait3A_275 : memref<10240x128xf32, #tpu.memory_space<vmem_shared>>)
        tpu.yield
      }) : () -> ()
      %add3A_252 = arith.constant 3 : i32
      %add3A_253 = arith.addi %mul3A_181, %add3A_252 : i32
      %add3A_254 = arith.constant 4 : i32
      %add3A_255 = arith.addi %add3A_253, %add3A_254 : i32
      %dma_start3A_256 = arith.constant 0 : i32
      %dma_start3A_257 = tpu.memref_slice %arg6[%add3A_255, %dma_start3A_256] : memref<80x64xi32, #tpu.memory_space<vmem>> -> memref<1x64xi32, #tpu.memory_space<vmem>>
      %dma_start3A_258 = tpu.memref_squeeze %dma_start3A_257 : memref<1x64xi32, #tpu.memory_space<vmem>> -> memref<64xi32, #tpu.memory_space<vmem>>
      %dma_start3A_259 = arith.constant 0 : i32
      %dma_start3A_260 = arith.constant 0 : i32
      %dma_start3A_261 = tpu.memref_slice %arg4[%dma_start3A_259, %dma_start3A_260] : memref<20000x128xf32, #tpu.memory_space<hbm>> -> memref<20000x128xf32, #tpu.memory_space<hbm>>
      tpu.enqueue_indirect_dma source(%dma_start3A_261 : memref<20000x128xf32, #tpu.memory_space<hbm>>) target(%arg11 : memref<64x128xf32, #tpu.memory_space<vmem>>) offsets(%dma_start3A_258 : memref<64xi32, #tpu.memory_space<vmem>>) semaphore(%arg17 : memref<!tpu.dma_semaphore, #tpu.memory_space<semaphore_mem>>)
      %scan3A_262 = arith.constant 0 : i32
      scf.yield %scan3A_262 : i32
    }
    %scan3A_137 = arith.constant 19 : i32
    %dma_wait3A_138 = arith.constant 76 : i32
    %dma_wait3A_139 = arith.constant 0 : i32
    %dma_wait3A_140 = tpu.memref_slice %arg6[%dma_wait3A_138, %dma_wait3A_139] : memref<80x64xi32, #tpu.memory_space<vmem>> -> memref<1x64xi32, #tpu.memory_space<vmem>>
    %dma_wait3A_141 = tpu.memref_squeeze %dma_wait3A_140 : memref<1x64xi32, #tpu.memory_space<vmem>> -> memref<64xi32, #tpu.memory_space<vmem>>
    %dma_wait3A_142 = arith.constant 0 : i32
    %dma_wait3A_143 = arith.constant 0 : i32
    %dma_wait3A_144 = tpu.memref_slice %arg4[%dma_wait3A_142, %dma_wait3A_143] : memref<20000x128xf32, #tpu.memory_space<hbm>> -> memref<20000x128xf32, #tpu.memory_space<hbm>>
    tpu.wait_indirect_dma semaphore(%arg14 : memref<!tpu.dma_semaphore, #tpu.memory_space<semaphore_mem>>) src(%dma_wait3A_144 : memref<20000x128xf32, #tpu.memory_space<hbm>>) dst(%arg8 : memref<64x128xf32, #tpu.memory_space<vmem>>)
    %run_scoped3A_145 = arith.constant 76 : i32
    "tpu.region"() ({
      %run_scoped3A_178 = tpu.sem_alloc : memref<!tpu.dma_semaphore, #tpu.memory_space<semaphore_mem>>
      %dma_start3A_179 = arith.constant 0 : i32
      %dma_start3A_180 = tpu.memref_slice %arg7[%run_scoped3A_145, %dma_start3A_179] : memref<80x64xi32, #tpu.memory_space<vmem>> -> memref<1x64xi32, #tpu.memory_space<vmem>>
      %dma_start3A_181 = tpu.memref_squeeze %dma_start3A_180 : memref<1x64xi32, #tpu.memory_space<vmem>> -> memref<64xi32, #tpu.memory_space<vmem>>
      %dma_start3A_182 = arith.constant 0 : i32
      %dma_start3A_183 = arith.constant 0 : i32
      %dma_start3A_184 = tpu.memref_slice %arg13[%dma_start3A_182, %dma_start3A_183] : memref<10240x128xf32, #tpu.memory_space<vmem_shared>> -> memref<10240x128xf32, #tpu.memory_space<vmem_shared>>
      tpu.enqueue_indirect_dma source(%arg8 : memref<64x128xf32, #tpu.memory_space<vmem>>) target(%dma_start3A_184 : memref<10240x128xf32, #tpu.memory_space<vmem_shared>>) offsets(%dma_start3A_181 : memref<64xi32, #tpu.memory_space<vmem>>) semaphore(%run_scoped3A_178 : memref<!tpu.dma_semaphore, #tpu.memory_space<semaphore_mem>>) {add = true}
      %dma_wait3A_185 = arith.constant 0 : i32
      %dma_wait3A_186 = tpu.memref_slice %arg7[%run_scoped3A_145, %dma_wait3A_185] : memref<80x64xi32, #tpu.memory_space<vmem>> -> memref<1x64xi32, #tpu.memory_space<vmem>>
      %dma_wait3A_187 = tpu.memref_squeeze %dma_wait3A_186 : memref<1x64xi32, #tpu.memory_space<vmem>> -> memref<64xi32, #tpu.memory_space<vmem>>
      %dma_wait3A_188 = arith.constant 0 : i32
      %dma_wait3A_189 = arith.constant 0 : i32
      %dma_wait3A_190 = tpu.memref_slice %arg13[%dma_wait3A_188, %dma_wait3A_189] : memref<10240x128xf32, #tpu.memory_space<vmem_shared>> -> memref<10240x128xf32, #tpu.memory_space<vmem_shared>>
      tpu.wait_indirect_dma semaphore(%run_scoped3A_178 : memref<!tpu.dma_semaphore, #tpu.memory_space<semaphore_mem>>) src(%arg8 : memref<64x128xf32, #tpu.memory_space<vmem>>) dst(%dma_wait3A_190 : memref<10240x128xf32, #tpu.memory_space<vmem_shared>>)
      tpu.yield
    }) : () -> ()
    %dma_wait3A_146 = arith.constant 77 : i32
    %dma_wait3A_147 = arith.constant 0 : i32
    %dma_wait3A_148 = tpu.memref_slice %arg6[%dma_wait3A_146, %dma_wait3A_147] : memref<80x64xi32, #tpu.memory_space<vmem>> -> memref<1x64xi32, #tpu.memory_space<vmem>>
    %dma_wait3A_149 = tpu.memref_squeeze %dma_wait3A_148 : memref<1x64xi32, #tpu.memory_space<vmem>> -> memref<64xi32, #tpu.memory_space<vmem>>
    %dma_wait3A_150 = arith.constant 0 : i32
    %dma_wait3A_151 = arith.constant 0 : i32
    %dma_wait3A_152 = tpu.memref_slice %arg4[%dma_wait3A_150, %dma_wait3A_151] : memref<20000x128xf32, #tpu.memory_space<hbm>> -> memref<20000x128xf32, #tpu.memory_space<hbm>>
    tpu.wait_indirect_dma semaphore(%arg15 : memref<!tpu.dma_semaphore, #tpu.memory_space<semaphore_mem>>) src(%dma_wait3A_152 : memref<20000x128xf32, #tpu.memory_space<hbm>>) dst(%arg9 : memref<64x128xf32, #tpu.memory_space<vmem>>)
    %run_scoped3A_153 = arith.constant 77 : i32
    "tpu.region"() ({
      %run_scoped3A_178 = tpu.sem_alloc : memref<!tpu.dma_semaphore, #tpu.memory_space<semaphore_mem>>
      %dma_start3A_179 = arith.constant 0 : i32
      %dma_start3A_180 = tpu.memref_slice %arg7[%run_scoped3A_153, %dma_start3A_179] : memref<80x64xi32, #tpu.memory_space<vmem>> -> memref<1x64xi32, #tpu.memory_space<vmem>>
      %dma_start3A_181 = tpu.memref_squeeze %dma_start3A_180 : memref<1x64xi32, #tpu.memory_space<vmem>> -> memref<64xi32, #tpu.memory_space<vmem>>
      %dma_start3A_182 = arith.constant 0 : i32
      %dma_start3A_183 = arith.constant 0 : i32
      %dma_start3A_184 = tpu.memref_slice %arg13[%dma_start3A_182, %dma_start3A_183] : memref<10240x128xf32, #tpu.memory_space<vmem_shared>> -> memref<10240x128xf32, #tpu.memory_space<vmem_shared>>
      tpu.enqueue_indirect_dma source(%arg9 : memref<64x128xf32, #tpu.memory_space<vmem>>) target(%dma_start3A_184 : memref<10240x128xf32, #tpu.memory_space<vmem_shared>>) offsets(%dma_start3A_181 : memref<64xi32, #tpu.memory_space<vmem>>) semaphore(%run_scoped3A_178 : memref<!tpu.dma_semaphore, #tpu.memory_space<semaphore_mem>>) {add = true}
      %dma_wait3A_185 = arith.constant 0 : i32
      %dma_wait3A_186 = tpu.memref_slice %arg7[%run_scoped3A_153, %dma_wait3A_185] : memref<80x64xi32, #tpu.memory_space<vmem>> -> memref<1x64xi32, #tpu.memory_space<vmem>>
      %dma_wait3A_187 = tpu.memref_squeeze %dma_wait3A_186 : memref<1x64xi32, #tpu.memory_space<vmem>> -> memref<64xi32, #tpu.memory_space<vmem>>
      %dma_wait3A_188 = arith.constant 0 : i32
      %dma_wait3A_189 = arith.constant 0 : i32
      %dma_wait3A_190 = tpu.memref_slice %arg13[%dma_wait3A_188, %dma_wait3A_189] : memref<10240x128xf32, #tpu.memory_space<vmem_shared>> -> memref<10240x128xf32, #tpu.memory_space<vmem_shared>>
      tpu.wait_indirect_dma semaphore(%run_scoped3A_178 : memref<!tpu.dma_semaphore, #tpu.memory_space<semaphore_mem>>) src(%arg9 : memref<64x128xf32, #tpu.memory_space<vmem>>) dst(%dma_wait3A_190 : memref<10240x128xf32, #tpu.memory_space<vmem_shared>>)
      tpu.yield
    }) : () -> ()
    %dma_wait3A_154 = arith.constant 78 : i32
    %dma_wait3A_155 = arith.constant 0 : i32
    %dma_wait3A_156 = tpu.memref_slice %arg6[%dma_wait3A_154, %dma_wait3A_155] : memref<80x64xi32, #tpu.memory_space<vmem>> -> memref<1x64xi32, #tpu.memory_space<vmem>>
    %dma_wait3A_157 = tpu.memref_squeeze %dma_wait3A_156 : memref<1x64xi32, #tpu.memory_space<vmem>> -> memref<64xi32, #tpu.memory_space<vmem>>
    %dma_wait3A_158 = arith.constant 0 : i32
    %dma_wait3A_159 = arith.constant 0 : i32
    %dma_wait3A_160 = tpu.memref_slice %arg4[%dma_wait3A_158, %dma_wait3A_159] : memref<20000x128xf32, #tpu.memory_space<hbm>> -> memref<20000x128xf32, #tpu.memory_space<hbm>>
    tpu.wait_indirect_dma semaphore(%arg16 : memref<!tpu.dma_semaphore, #tpu.memory_space<semaphore_mem>>) src(%dma_wait3A_160 : memref<20000x128xf32, #tpu.memory_space<hbm>>) dst(%arg10 : memref<64x128xf32, #tpu.memory_space<vmem>>)
    %run_scoped3A_161 = arith.constant 78 : i32
    "tpu.region"() ({
      %run_scoped3A_178 = tpu.sem_alloc : memref<!tpu.dma_semaphore, #tpu.memory_space<semaphore_mem>>
      %dma_start3A_179 = arith.constant 0 : i32
      %dma_start3A_180 = tpu.memref_slice %arg7[%run_scoped3A_161, %dma_start3A_179] : memref<80x64xi32, #tpu.memory_space<vmem>> -> memref<1x64xi32, #tpu.memory_space<vmem>>
      %dma_start3A_181 = tpu.memref_squeeze %dma_start3A_180 : memref<1x64xi32, #tpu.memory_space<vmem>> -> memref<64xi32, #tpu.memory_space<vmem>>
      %dma_start3A_182 = arith.constant 0 : i32
      %dma_start3A_183 = arith.constant 0 : i32
      %dma_start3A_184 = tpu.memref_slice %arg13[%dma_start3A_182, %dma_start3A_183] : memref<10240x128xf32, #tpu.memory_space<vmem_shared>> -> memref<10240x128xf32, #tpu.memory_space<vmem_shared>>
      tpu.enqueue_indirect_dma source(%arg10 : memref<64x128xf32, #tpu.memory_space<vmem>>) target(%dma_start3A_184 : memref<10240x128xf32, #tpu.memory_space<vmem_shared>>) offsets(%dma_start3A_181 : memref<64xi32, #tpu.memory_space<vmem>>) semaphore(%run_scoped3A_178 : memref<!tpu.dma_semaphore, #tpu.memory_space<semaphore_mem>>) {add = true}
      %dma_wait3A_185 = arith.constant 0 : i32
      %dma_wait3A_186 = tpu.memref_slice %arg7[%run_scoped3A_161, %dma_wait3A_185] : memref<80x64xi32, #tpu.memory_space<vmem>> -> memref<1x64xi32, #tpu.memory_space<vmem>>
      %dma_wait3A_187 = tpu.memref_squeeze %dma_wait3A_186 : memref<1x64xi32, #tpu.memory_space<vmem>> -> memref<64xi32, #tpu.memory_space<vmem>>
      %dma_wait3A_188 = arith.constant 0 : i32
      %dma_wait3A_189 = arith.constant 0 : i32
      %dma_wait3A_190 = tpu.memref_slice %arg13[%dma_wait3A_188, %dma_wait3A_189] : memref<10240x128xf32, #tpu.memory_space<vmem_shared>> -> memref<10240x128xf32, #tpu.memory_space<vmem_shared>>
      tpu.wait_indirect_dma semaphore(%run_scoped3A_178 : memref<!tpu.dma_semaphore, #tpu.memory_space<semaphore_mem>>) src(%arg10 : memref<64x128xf32, #tpu.memory_space<vmem>>) dst(%dma_wait3A_190 : memref<10240x128xf32, #tpu.memory_space<vmem_shared>>)
      tpu.yield
    }) : () -> ()
    %dma_wait3A_162 = arith.constant 79 : i32
    %dma_wait3A_163 = arith.constant 0 : i32
    %dma_wait3A_164 = tpu.memref_slice %arg6[%dma_wait3A_162, %dma_wait3A_163] : memref<80x64xi32, #tpu.memory_space<vmem>> -> memref<1x64xi32, #tpu.memory_space<vmem>>
    %dma_wait3A_165 = tpu.memref_squeeze %dma_wait3A_164 : memref<1x64xi32, #tpu.memory_space<vmem>> -> memref<64xi32, #tpu.memory_space<vmem>>
    %dma_wait3A_166 = arith.constant 0 : i32
    %dma_wait3A_167 = arith.constant 0 : i32
    %dma_wait3A_168 = tpu.memref_slice %arg4[%dma_wait3A_166, %dma_wait3A_167] : memref<20000x128xf32, #tpu.memory_space<hbm>> -> memref<20000x128xf32, #tpu.memory_space<hbm>>
    tpu.wait_indirect_dma semaphore(%arg17 : memref<!tpu.dma_semaphore, #tpu.memory_space<semaphore_mem>>) src(%dma_wait3A_168 : memref<20000x128xf32, #tpu.memory_space<hbm>>) dst(%arg11 : memref<64x128xf32, #tpu.memory_space<vmem>>)
    %run_scoped3A_169 = arith.constant 79 : i32
    "tpu.region"() ({
      %run_scoped3A_178 = tpu.sem_alloc : memref<!tpu.dma_semaphore, #tpu.memory_space<semaphore_mem>>
      %dma_start3A_179 = arith.constant 0 : i32
      %dma_start3A_180 = tpu.memref_slice %arg7[%run_scoped3A_169, %dma_start3A_179] : memref<80x64xi32, #tpu.memory_space<vmem>> -> memref<1x64xi32, #tpu.memory_space<vmem>>
      %dma_start3A_181 = tpu.memref_squeeze %dma_start3A_180 : memref<1x64xi32, #tpu.memory_space<vmem>> -> memref<64xi32, #tpu.memory_space<vmem>>
      %dma_start3A_182 = arith.constant 0 : i32
      %dma_start3A_183 = arith.constant 0 : i32
      %dma_start3A_184 = tpu.memref_slice %arg13[%dma_start3A_182, %dma_start3A_183] : memref<10240x128xf32, #tpu.memory_space<vmem_shared>> -> memref<10240x128xf32, #tpu.memory_space<vmem_shared>>
      tpu.enqueue_indirect_dma source(%arg11 : memref<64x128xf32, #tpu.memory_space<vmem>>) target(%dma_start3A_184 : memref<10240x128xf32, #tpu.memory_space<vmem_shared>>) offsets(%dma_start3A_181 : memref<64xi32, #tpu.memory_space<vmem>>) semaphore(%run_scoped3A_178 : memref<!tpu.dma_semaphore, #tpu.memory_space<semaphore_mem>>) {add = true}
      %dma_wait3A_185 = arith.constant 0 : i32
      %dma_wait3A_186 = tpu.memref_slice %arg7[%run_scoped3A_169, %dma_wait3A_185] : memref<80x64xi32, #tpu.memory_space<vmem>> -> memref<1x64xi32, #tpu.memory_space<vmem>>
      %dma_wait3A_187 = tpu.memref_squeeze %dma_wait3A_186 : memref<1x64xi32, #tpu.memory_space<vmem>> -> memref<64xi32, #tpu.memory_space<vmem>>
      %dma_wait3A_188 = arith.constant 0 : i32
      %dma_wait3A_189 = arith.constant 0 : i32
      %dma_wait3A_190 = tpu.memref_slice %arg13[%dma_wait3A_188, %dma_wait3A_189] : memref<10240x128xf32, #tpu.memory_space<vmem_shared>> -> memref<10240x128xf32, #tpu.memory_space<vmem_shared>>
      tpu.wait_indirect_dma semaphore(%run_scoped3A_178 : memref<!tpu.dma_semaphore, #tpu.memory_space<semaphore_mem>>) src(%arg11 : memref<64x128xf32, #tpu.memory_space<vmem>>) dst(%dma_wait3A_190 : memref<10240x128xf32, #tpu.memory_space<vmem_shared>>)
      tpu.yield
    }) : () -> ()
    %barrier3A_170 = arith.constant 0 : index
    tpu.barrier barrier_id(%barrier3A_170)
    %mul3A_171 = arith.constant 640 : i32
    %mul3A_172 = arith.muli %arg1, %mul3A_171 : i32
    %mul3A_173 = arith.constant 10240 : i32
    %mul3A_174 = arith.muli %arg0, %mul3A_173 : i32
    %mul3A_175 = arith.constant 640 : i32
    %mul3A_176 = arith.muli %arg1, %mul3A_175 : i32
    %add3A_177 = arith.addi %mul3A_174, %mul3A_176 : i32
    "tpu.region"() ({
      %run_scoped3A_178 = tpu.sem_alloc : memref<!tpu.dma_semaphore, #tpu.memory_space<semaphore_mem>>
      %dma_start3A_179 = arith.constant 0 : i32
      %dma_start3A_180 = tpu.memref_slice %arg5[%add3A_177, %dma_start3A_179] : memref<20480x128xf32, #tpu.memory_space<hbm>> -> memref<640x128xf32, #tpu.memory_space<hbm>>
      %dma_start3A_181 = arith.constant 0 : i32
      %dma_start3A_182 = tpu.memref_slice %arg13[%mul3A_172, %dma_start3A_181] : memref<10240x128xf32, #tpu.memory_space<vmem_shared>> -> memref<640x128xf32, #tpu.memory_space<vmem_shared>>
      tpu.enqueue_dma source(%dma_start3A_182 : memref<640x128xf32, #tpu.memory_space<vmem_shared>>) target(%dma_start3A_180 : memref<640x128xf32, #tpu.memory_space<hbm>>) target_semaphore(%run_scoped3A_178 : memref<!tpu.dma_semaphore, #tpu.memory_space<semaphore_mem>>)
      %dma_wait3A_183 = arith.constant 0 : i32
      %dma_wait3A_184 = tpu.memref_slice %arg5[%add3A_177, %dma_wait3A_183] : memref<20480x128xf32, #tpu.memory_space<hbm>> -> memref<640x128xf32, #tpu.memory_space<hbm>>
      %dma_wait3A_185 = arith.constant 0 : i32
      %dma_wait3A_186 = tpu.memref_slice %arg13[%mul3A_172, %dma_wait3A_185] : memref<10240x128xf32, #tpu.memory_space<vmem_shared>> -> memref<640x128xf32, #tpu.memory_space<vmem_shared>>
      tpu.wait_dma2 semaphore(%run_scoped3A_178 : memref<!tpu.dma_semaphore, #tpu.memory_space<semaphore_mem>>) src(%dma_wait3A_186 : memref<640x128xf32, #tpu.memory_space<vmem_shared>>) dst(%dma_wait3A_184 : memref<640x128xf32, #tpu.memory_space<hbm>>)
      tpu.yield
    }) : () -> ()
    return
  }
}

module attributes {stable_mosaic.version = 14 : i64} {
  func.func @_scale_body(%arg0: i32, %arg1: i32, %arg2: memref<1000x128xf32, #tpu.memory_space<vmem>>, %arg3: memref<1000x32xf32, #tpu.memory_space<vmem>>, %arg4: memref<1000x128xf32, #tpu.memory_space<vmem>>) attributes {dimension_semantics = [#tpu.dimension_semantics<arbitrary>, #tpu.dimension_semantics<arbitrary>], iteration_bounds = array<i64: 2, 10>, scalar_prefetch = 0 : i64, scratch_operands = 0 : i64, tpu.core_type = #tpu.core_type<tc>, window_params = [{transform_indices = @transform_0, window_bounds = array<i64: 1000, 128>}, {transform_indices = @transform_1, window_bounds = array<i64: 1000, 32>}, {transform_indices = @transform_2, window_bounds = array<i64: 1000, 128>}]} {
    %get3A = arith.constant 0 : index
    %get3A_0 = arith.constant 0 : index
    %get3A_1 = vector.load %arg3[%get3A, %get3A_0] : memref<1000x32xf32, #tpu.memory_space<vmem>>, vector<1000x1xf32>
    %get3A_2 = arith.constant 0 : index
    %get3A_3 = arith.constant 16 : index
    %get3A_4 = vector.load %arg3[%get3A_2, %get3A_3] : memref<1000x32xf32, #tpu.memory_space<vmem>>, vector<1000x1xf32>
    %add3A = arith.addf %get3A_1, %get3A_4 : vector<1000x1xf32>
    %gt3A = arith.constant 0.000000e+00 : f32
    %gt3A_5 = vector.broadcast %gt3A : f32 to vector<1000x1xf32>
    %gt3A_6 = arith.cmpf ogt, %add3A, %gt3A_5 : vector<1000x1xf32>
    %rsqrt3A = math.rsqrt %add3A : vector<1000x1xf32>
    %jit3A = arith.constant 0.000000e+00 : f32
    %broadcast_in_dim3A = vector.broadcast %jit3A : f32 to vector<1000x1xf32>
    %select_n3A = arith.select %gt3A_6, %rsqrt3A, %broadcast_in_dim3A : vector<1000x1xi1>, vector<1000x1xf32>
    %get3A_7 = arith.constant 0 : index
    %get3A_8 = arith.constant 0 : index
    %get3A_9 = vector.load %arg2[%get3A_7, %get3A_8] : memref<1000x128xf32, #tpu.memory_space<vmem>>, vector<1000x128xf32>
    %mul3A = vector.broadcast %select_n3A : vector<1000x1xf32> to vector<1000x128xf32>
    %mul3A_10 = arith.mulf %get3A_9, %mul3A : vector<1000x128xf32>
    %swap3A = arith.constant 0 : index
    %swap3A_11 = arith.constant 0 : index
    %swap3A_12 = vector.load %arg4[%swap3A, %swap3A_11] : memref<1000x128xf32, #tpu.memory_space<vmem>>, vector<1000x128xf32>
    tpu.vector_store %arg4[%swap3A, %swap3A_11], %mul3A_10 {strides = array<i32>} : memref<1000x128xf32, #tpu.memory_space<vmem>>, vector<1000x128xf32>,
    return
  }
  func.func @transform_0(%arg0: i32, %arg1: i32) -> (i32, i32) {
    %c0_i32 = arith.constant 0 : i32
    return %arg1, %arg0 : i32, i32
  }
  func.func @transform_1(%arg0: i32, %arg1: i32) -> (i32, i32) {
    %c0_i32 = arith.constant 0 : i32
    %c0_i32_0 = arith.constant 0 : i32
    return %arg1, %c0_i32 : i32, i32
  }
  func.func @transform_2(%arg0: i32, %arg1: i32) -> (i32, i32) {
    %mul3A = arith.constant 10 : i32
    %mul3A_0 = arith.muli %arg0, %mul3A : i32
    %add3A = arith.addi %mul3A_0, %arg1 : i32
    %c0_i32 = arith.constant 0 : i32
    %c0_i32_1 = arith.constant 0 : i32
    return %add3A, %c0_i32 : i32, i32
  }
}

module attributes {stable_mosaic.version = 14 : i64} {
  func.func @_xw_body(%arg0: i32, %arg1: memref<2000x256xf32, #tpu.memory_space<vmem>>, %arg2: memref<256x256xf32, #tpu.memory_space<vmem>>, %arg3: memref<256x256xf32, #tpu.memory_space<vmem>>, %arg4: memref<2000x512xf32, #tpu.memory_space<vmem>>) attributes {dimension_semantics = [#tpu.dimension_semantics<arbitrary>], iteration_bounds = array<i64: 5>, scalar_prefetch = 0 : i64, scratch_operands = 0 : i64, tpu.core_type = #tpu.core_type<tc>, window_params = [{transform_indices = @transform_0, window_bounds = array<i64: 2000, 256>}, {pipeline_mode = #tpu.pipeline_mode<synchronous>, transform_indices = @transform_1, window_bounds = array<i64: 256, 256>}, {pipeline_mode = #tpu.pipeline_mode<synchronous>, transform_indices = @transform_2, window_bounds = array<i64: 256, 256>}, {transform_indices = @transform_3, window_bounds = array<i64: 2000, 512>}]} {
    %get3A = arith.constant 0 : index
    %get3A_0 = arith.constant 0 : index
    %get3A_1 = vector.load %arg1[%get3A, %get3A_0] : memref<2000x256xf32, #tpu.memory_space<vmem>>, vector<2000x256xf32>
    %get3A_2 = arith.constant 0 : index
    %get3A_3 = arith.constant 0 : index
    %get3A_4 = vector.load %arg2[%get3A_2, %get3A_3] : memref<256x256xf32, #tpu.memory_space<vmem>>, vector<256x256xf32>
    %dot_general3A = arith.constant dense<0.000000e+00> : vector<2000x256xf32>
    %dot_general3A_5 = tpu.matmul %get3A_1, %get3A_4, %dot_general3A {dimension_numbers = #tpu.dot_dimension_numbers<[1], [0], [0], [1], [0, 0, 1, 1], [], []>, transpose_lhs_hint = false} : vector<2000x256xf32>, vector<256x256xf32>, vector<2000x256xf32> -> vector<2000x256xf32>
    %swap3A = arith.constant 0 : index
    %swap3A_6 = arith.constant 0 : index
    %swap3A_7 = vector.load %arg4[%swap3A, %swap3A_6] : memref<2000x512xf32, #tpu.memory_space<vmem>>, vector<2000x256xf32>
    tpu.vector_store %arg4[%swap3A, %swap3A_6], %dot_general3A_5 {strides = array<i32>} : memref<2000x512xf32, #tpu.memory_space<vmem>>, vector<2000x256xf32>,
    %get3A_8 = arith.constant 0 : index
    %get3A_9 = arith.constant 0 : index
    %get3A_10 = vector.load %arg1[%get3A_8, %get3A_9] : memref<2000x256xf32, #tpu.memory_space<vmem>>, vector<2000x256xf32>
    %get3A_11 = arith.constant 0 : index
    %get3A_12 = arith.constant 0 : index
    %get3A_13 = vector.load %arg3[%get3A_11, %get3A_12] : memref<256x256xf32, #tpu.memory_space<vmem>>, vector<256x256xf32>
    %dot_general3A_14 = arith.constant dense<0.000000e+00> : vector<2000x256xf32>
    %dot_general3A_15 = tpu.matmul %get3A_10, %get3A_13, %dot_general3A_14 {dimension_numbers = #tpu.dot_dimension_numbers<[1], [0], [0], [1], [0, 0, 1, 1], [], []>, transpose_lhs_hint = false} : vector<2000x256xf32>, vector<256x256xf32>, vector<2000x256xf32> -> vector<2000x256xf32>
    %swap3A_16 = arith.constant 0 : index
    %swap3A_17 = arith.constant 256 : index
    %swap3A_18 = vector.load %arg4[%swap3A_16, %swap3A_17] : memref<2000x512xf32, #tpu.memory_space<vmem>>, vector<2000x256xf32>
    tpu.vector_store %arg4[%swap3A_16, %swap3A_17], %dot_general3A_15 {strides = array<i32>} : memref<2000x512xf32, #tpu.memory_space<vmem>>, vector<2000x256xf32>,
    return
  }
  func.func @transform_0(%arg0: i32) -> (i32, i32) {
    %c0_i32 = arith.constant 0 : i32
    %c0_i32_0 = arith.constant 0 : i32
    return %arg0, %c0_i32 : i32, i32
  }
  func.func @transform_1(%arg0: i32) -> (i32, i32) {
    %c0_i32 = arith.constant 0 : i32
    %c0_i32_0 = arith.constant 0 : i32
    %c0_i32_1 = arith.constant 0 : i32
    return %c0_i32, %c0_i32_0 : i32, i32
  }
  func.func @transform_2(%arg0: i32) -> (i32, i32) {
    %c0_i32 = arith.constant 0 : i32
    %c0_i32_0 = arith.constant 0 : i32
    %c0_i32_1 = arith.constant 0 : i32
    return %c0_i32, %c0_i32_0 : i32, i32
  }
  func.func @transform_3(%arg0: i32) -> (i32, i32) {
    %c0_i32 = arith.constant 0 : i32
    %c0_i32_0 = arith.constant 0 : i32
    return %arg0, %c0_i32 : i32, i32
  }
}

module attributes {stable_mosaic.version = 14 : i64} {
  func.func @_fused_body(%arg0: i32, %arg1: memref<1000x512xf32, #tpu.memory_space<vmem>>, %arg2: memref<1000x128xf32, #tpu.memory_space<vmem>>, %arg3: memref<1000x128xf32, #tpu.memory_space<vmem>>, %arg4: memref<1000x32xf32, #tpu.memory_space<vmem>>, %arg5: memref<256x256xf32, #tpu.memory_space<vmem>>, %arg6: memref<256x256xf32, #tpu.memory_space<vmem>>, %arg7: memref<1x256xf32, #tpu.memory_space<vmem>>, %arg8: memref<1x256xf32, #tpu.memory_space<vmem>>, %arg9: memref<1x256xf32, #tpu.memory_space<vmem>>, %arg10: memref<1x1xf32, #tpu.memory_space<vmem>>, %arg11: memref<1000x1xf32, #tpu.memory_space<vmem>>) attributes {dimension_semantics = [#tpu.dimension_semantics<arbitrary>], iteration_bounds = array<i64: 10>, scalar_prefetch = 0 : i64, scratch_operands = 0 : i64, tpu.core_type = #tpu.core_type<tc>, window_params = [{transform_indices = @transform_0, window_bounds = array<i64: 1000, 512>}, {transform_indices = @transform_1, window_bounds = array<i64: 1000, 128>}, {transform_indices = @transform_2, window_bounds = array<i64: 1000, 128>}, {transform_indices = @transform_3, window_bounds = array<i64: 1000, 32>}, {pipeline_mode = #tpu.pipeline_mode<synchronous>, transform_indices = @transform_4, window_bounds = array<i64: 256, 256>}, {pipeline_mode = #tpu.pipeline_mode<synchronous>, transform_indices = @transform_5, window_bounds = array<i64: 256, 256>}, {pipeline_mode = #tpu.pipeline_mode<synchronous>, transform_indices = @transform_6, window_bounds = array<i64: 1, 256>}, {pipeline_mode = #tpu.pipeline_mode<synchronous>, transform_indices = @transform_7, window_bounds = array<i64: 1, 256>}, {pipeline_mode = #tpu.pipeline_mode<synchronous>, transform_indices = @transform_8, window_bounds = array<i64: 1, 256>}, {pipeline_mode = #tpu.pipeline_mode<synchronous>, transform_indices = @transform_9, window_bounds = array<i64: 1, 1>}, {transform_indices = @transform_10, window_bounds = array<i64: 1000, 1>}]} {
    %get3A = arith.constant 0 : index
    %get3A_0 = arith.constant 0 : index
    %get3A_1 = vector.load %arg4[%get3A, %get3A_0] : memref<1000x32xf32, #tpu.memory_space<vmem>>, vector<1000x1xf32>
    %get3A_2 = arith.constant 0 : index
    %get3A_3 = arith.constant 16 : index
    %get3A_4 = vector.load %arg4[%get3A_2, %get3A_3] : memref<1000x32xf32, #tpu.memory_space<vmem>>, vector<1000x1xf32>
    %add3A = arith.addf %get3A_1, %get3A_4 : vector<1000x1xf32>
    %gt3A = arith.constant 0.000000e+00 : f32
    %gt3A_5 = vector.broadcast %gt3A : f32 to vector<1000x1xf32>
    %gt3A_6 = arith.cmpf ogt, %add3A, %gt3A_5 : vector<1000x1xf32>
    %rsqrt3A = math.rsqrt %add3A : vector<1000x1xf32>
    %neg3A = arith.constant 0.000000e+00 : f32
    %neg3A_7 = vector.broadcast %neg3A : f32 to vector<1000x1xf32>
    %neg3A_8 = arith.subf %neg3A_7, %rsqrt3A : vector<1000x1xf32>
    %jit3A = arith.constant 0.000000e+00 : f32
    %broadcast_in_dim3A = vector.broadcast %jit3A : f32 to vector<1000x1xf32>
    %select_n3A = arith.select %gt3A_6, %neg3A_8, %broadcast_in_dim3A : vector<1000x1xi1>, vector<1000x1xf32>
    %get3A_9 = arith.constant 0 : index
    %get3A_10 = arith.constant 0 : index
    %get3A_11 = vector.load %arg2[%get3A_9, %get3A_10] : memref<1000x128xf32, #tpu.memory_space<vmem>>, vector<1000x128xf32>
    %mul3A = vector.broadcast %select_n3A : vector<1000x1xf32> to vector<1000x128xf32>
    %mul3A_12 = arith.mulf %mul3A, %get3A_11 : vector<1000x128xf32>
    %get3A_13 = arith.constant 0 : index
    %get3A_14 = arith.constant 0 : index
    %get3A_15 = vector.load %arg3[%get3A_13, %get3A_14] : memref<1000x128xf32, #tpu.memory_space<vmem>>, vector<1000x128xf32>
    %mul3A_16 = vector.broadcast %select_n3A : vector<1000x1xf32> to vector<1000x128xf32>
    %mul3A_17 = arith.mulf %mul3A_16, %get3A_15 : vector<1000x128xf32>
    %concatenate3A = tpu.concatenate %mul3A_12, %mul3A_17 in 1 : vector<1000x128xf32>, vector<1000x128xf32> -> vector<1000x256xf32>
    %get3A_18 = arith.constant 0 : index
    %get3A_19 = arith.constant 0 : index
    %get3A_20 = vector.load %arg1[%get3A_18, %get3A_19] : memref<1000x512xf32, #tpu.memory_space<vmem>>, vector<1000x256xf32>
    %get3A_21 = arith.constant 0 : index
    %get3A_22 = arith.constant 0 : index
    %get3A_23 = vector.load %arg7[%get3A_21, %get3A_22] : memref<1x256xf32, #tpu.memory_space<vmem>>, vector<1x256xf32>
    %add3A_24 = vector.broadcast %get3A_23 : vector<1x256xf32> to vector<1000x256xf32>
    %add3A_25 = arith.addf %get3A_20, %add3A_24 : vector<1000x256xf32>
    %get3A_26 = arith.constant 0 : index
    %get3A_27 = arith.constant 0 : index
    %get3A_28 = vector.load %arg5[%get3A_26, %get3A_27] : memref<256x256xf32, #tpu.memory_space<vmem>>, vector<256x256xf32>
    %dot_general3A = arith.constant dense<0.000000e+00> : vector<1000x256xf32>
    %dot_general3A_29 = tpu.matmul %concatenate3A, %get3A_28, %dot_general3A {dimension_numbers = #tpu.dot_dimension_numbers<[1], [0], [0], [1], [0, 0, 1, 1], [], []>, transpose_lhs_hint = false} : vector<1000x256xf32>, vector<256x256xf32>, vector<1000x256xf32> -> vector<1000x256xf32>
    %add3A_30 = arith.addf %add3A_25, %dot_general3A_29 : vector<1000x256xf32>
    %get3A_31 = arith.constant 0 : index
    %get3A_32 = arith.constant 256 : index
    %get3A_33 = vector.load %arg1[%get3A_31, %get3A_32] : memref<1000x512xf32, #tpu.memory_space<vmem>>, vector<1000x256xf32>
    %get3A_34 = arith.constant 0 : index
    %get3A_35 = arith.constant 0 : index
    %get3A_36 = vector.load %arg8[%get3A_34, %get3A_35] : memref<1x256xf32, #tpu.memory_space<vmem>>, vector<1x256xf32>
    %add3A_37 = vector.broadcast %get3A_36 : vector<1x256xf32> to vector<1000x256xf32>
    %add3A_38 = arith.addf %get3A_33, %add3A_37 : vector<1000x256xf32>
    %get3A_39 = arith.constant 0 : index
    %get3A_40 = arith.constant 0 : index
    %get3A_41 = vector.load %arg6[%get3A_39, %get3A_40] : memref<256x256xf32, #tpu.memory_space<vmem>>, vector<256x256xf32>
    %dot_general3A_42 = arith.constant dense<0.000000e+00> : vector<1000x256xf32>
    %dot_general3A_43 = tpu.matmul %concatenate3A, %get3A_41, %dot_general3A_42 {dimension_numbers = #tpu.dot_dimension_numbers<[1], [0], [0], [1], [0, 0, 1, 1], [], []>, transpose_lhs_hint = false} : vector<1000x256xf32>, vector<256x256xf32>, vector<1000x256xf32> -> vector<1000x256xf32>
    %add3A_44 = arith.addf %add3A_38, %dot_general3A_43 : vector<1000x256xf32>
    %logistic3A = arith.negf %add3A_30 : vector<1000x256xf32>
    %logistic3A_45 = math.exp %logistic3A : vector<1000x256xf32>
    %logistic3A_46 = arith.constant 1.000000e+00 : f32
    %logistic3A_47 = vector.broadcast %logistic3A_46 : f32 to vector<1000x256xf32>
    %logistic3A_48 = arith.addf %logistic3A_47, %logistic3A_45 : vector<1000x256xf32>
    %logistic3A_49 = arith.divf %logistic3A_47, %logistic3A_48 : vector<1000x256xf32>
    %sub3A = arith.constant 1.000000e+00 : f32
    %sub3A_50 = vector.broadcast %sub3A : f32 to vector<1000x256xf32>
    %sub3A_51 = arith.subf %sub3A_50, %logistic3A_49 : vector<1000x256xf32>
    %tanh3A = math.tanh %add3A_44 : vector<1000x256xf32>
    %mul3A_52 = arith.mulf %sub3A_51, %tanh3A : vector<1000x256xf32>
    %max3A = arith.constant 0.000000e+00 : f32
    %max3A_53 = vector.broadcast %max3A : f32 to vector<1000x256xf32>
    %max3A_54 = arith.maximumf %mul3A_52, %max3A_53 : vector<1000x256xf32>
    %get3A_55 = arith.constant 0 : index
    %get3A_56 = arith.constant 0 : index
    %get3A_57 = vector.load %arg9[%get3A_55, %get3A_56] : memref<1x256xf32, #tpu.memory_space<vmem>>, vector<1x256xf32>
    %mul3A_58 = vector.broadcast %get3A_57 : vector<1x256xf32> to vector<1000x256xf32>
    %mul3A_59 = arith.mulf %max3A_54, %mul3A_58 : vector<1000x256xf32>
    %reduce_sum3A = arith.constant dense<0.000000e+00> : vector<1000xf32>
    %reduce_sum3A_60 = vector.multi_reduction <add>, %mul3A_59, %reduce_sum3A [1] : vector<1000x256xf32> to vector<1000xf32>
    %broadcast_in_dim3A_61 = vector.shape_cast %reduce_sum3A_60 : vector<1000xf32> to vector<1000x1xf32>
    %get3A_62 = arith.constant 0 : index
    %get3A_63 = arith.constant 0 : index
    %get3A_64 = vector.load %arg10[%get3A_62, %get3A_63] : memref<1x1xf32, #tpu.memory_space<vmem>>, vector<1x1xf32>
    %add3A_65 = vector.broadcast %get3A_64 : vector<1x1xf32> to vector<1000x1xf32>
    %add3A_66 = arith.addf %broadcast_in_dim3A_61, %add3A_65 : vector<1000x1xf32>
    %swap3A = arith.constant 0 : index
    %swap3A_67 = arith.constant 0 : index
    %swap3A_68 = vector.load %arg11[%swap3A, %swap3A_67] : memref<1000x1xf32, #tpu.memory_space<vmem>>, vector<1000x1xf32>
    tpu.vector_store %arg11[%swap3A, %swap3A_67], %add3A_66 {strides = array<i32>} : memref<1000x1xf32, #tpu.memory_space<vmem>>, vector<1000x1xf32>,
    return
  }
  func.func @transform_0(%arg0: i32) -> (i32, i32) {
    %c0_i32 = arith.constant 0 : i32
    %c0_i32_0 = arith.constant 0 : i32
    return %arg0, %c0_i32 : i32, i32
  }
  func.func @transform_1(%arg0: i32) -> (i32, i32) {
    %c0_i32 = arith.constant 0 : i32
    %c0_i32_0 = arith.constant 0 : i32
    return %arg0, %c0_i32 : i32, i32
  }
  func.func @transform_2(%arg0: i32) -> (i32, i32) {
    %c0_i32 = arith.constant 0 : i32
    %c0_i32_0 = arith.constant 0 : i32
    return %arg0, %c0_i32 : i32, i32
  }
  func.func @transform_3(%arg0: i32) -> (i32, i32) {
    %c0_i32 = arith.constant 0 : i32
    %c0_i32_0 = arith.constant 0 : i32
    return %arg0, %c0_i32 : i32, i32
  }
  func.func @transform_4(%arg0: i32) -> (i32, i32) {
    %c0_i32 = arith.constant 0 : i32
    %c0_i32_0 = arith.constant 0 : i32
    %c0_i32_1 = arith.constant 0 : i32
    return %c0_i32, %c0_i32_0 : i32, i32
  }
  func.func @transform_5(%arg0: i32) -> (i32, i32) {
    %c0_i32 = arith.constant 0 : i32
    %c0_i32_0 = arith.constant 0 : i32
    %c0_i32_1 = arith.constant 0 : i32
    return %c0_i32, %c0_i32_0 : i32, i32
  }
  func.func @transform_6(%arg0: i32) -> (i32, i32) {
    %c0_i32 = arith.constant 0 : i32
    %c0_i32_0 = arith.constant 0 : i32
    %c0_i32_1 = arith.constant 0 : i32
    return %c0_i32, %c0_i32_0 : i32, i32
  }
  func.func @transform_7(%arg0: i32) -> (i32, i32) {
    %c0_i32 = arith.constant 0 : i32
    %c0_i32_0 = arith.constant 0 : i32
    %c0_i32_1 = arith.constant 0 : i32
    return %c0_i32, %c0_i32_0 : i32, i32
  }
  func.func @transform_8(%arg0: i32) -> (i32, i32) {
    %c0_i32 = arith.constant 0 : i32
    %c0_i32_0 = arith.constant 0 : i32
    %c0_i32_1 = arith.constant 0 : i32
    return %c0_i32, %c0_i32_0 : i32, i32
  }
  func.func @transform_9(%arg0: i32) -> (i32, i32) {
    %c0_i32 = arith.constant 0 : i32
    %c0_i32_0 = arith.constant 0 : i32
    %c0_i32_1 = arith.constant 0 : i32
    return %c0_i32, %c0_i32_0 : i32, i32
  }
  func.func @transform_10(%arg0: i32) -> (i32, i32) {
    %c0_i32 = arith.constant 0 : i32
    %c0_i32_0 = arith.constant 0 : i32
    return %arg0, %c0_i32 : i32, i32
  }
}

</mosaic_0001>

<sc_bundles>
// kernel: kernel.10.cloned.1.call-start
scs
__scs_entry_jumppad:
0x0: {  	(pc) =	sbr.rel $0x88, $3  }
0x1: {  	(tag) =	ssettag $0x0;
	lr =	simm.s32 $0x1  }
0x2: {  	[smem:$0x3F95] =	sst lr;
	_ =	strace $0xD0000000  }
0x3: {  	_ = 	snop  }
0x4: {  	_ = 	snop  }
0x5: {  	_ = 	snop  }
0x6: {  	_ = 	snop  }
0x7: {  	_ = 	snop  }
__scs_overlays_trampoline_lowered:
0x8: {  	[smem:$0x3FA4] =	sst s0  }
0x9: {  	[smem:$0x3FA5] =	sst s1  }
0xa: {  	[smem:$0x3FA6] =	sst s2  }
0xb: {  	[smem:$0x3FA7] =	sst s3  }
0xc: {  	[smem:$0x3FA8] =	sst s4  }
0xd: {  	[smem:$0x3FA9] =	sst s5  }
0xe: {  	[smem:$0x3FAA] =	sst s6  }
0xf: {  	[smem:$0x3FAB] =	sst s7  }
0x10: {  	[smem:$0x3FAC] =	sst s8  }
0x11: {  	[smem:$0x3FAD] =	sst s9;
	s0 =	simm.s32 @!p0 $0x0  }
0x12: {  	s1 =	sld [smem:$0x3F93];
	s0 =	simm.s32 @p0 $0x1  }
0x13: {  	[smem:$0x3FAE] =	sst s0;
	s0 =	simm.s32 @!p1 $0x0  }
0x14: {  	s2 =	sld [smem:$0x3F92];
	s0 =	simm.s32 @p1 $0x1  }
0x15: {  	[smem:$0x3FAF] =	sst s0;
	s0 =	simm.s32 @!p2 $0x0  }
0x16: {  	s3 =	sld [smem:$0x3FDB];
	s0 =	simm.s32 @p2 $0x1  }
0x17: {  	s4 =	simm.s32 $0x1BF5;
	[smem:$0x3FB1] =	sst s0  }
0x18: {  	s0 =	sld [smem:$0x3F94];
	_ =	swait.ge [sflag:s4], $0x0  }
0x19: {  	s7 =	sld [smem:$0x3F95]  }
0x1a: {  	s8 =	sadd.s32 $0xFFFFE003, lr  }
0x1b: {  	s9 =	sadd.s32 $0xFFFFFEF7, lr;
	s5 =	simm.s32 $0xFFFFFFFF;
	p2 =	slt.u32 s8, $0xFFFFF086  }
0x1c: {  	p1 =	slt.u32 s9, $0xF7A;
	s5 =	simm.s32 @!p2 $0x0  }
0x1d: {  	s5 =	simm.s32 @p1 $0x1;
	p0 =	seq.s32 s7, s2  }
0x1e: {  	s7 =	smul.u32 @!p0 $0xF7A, s2;
	p2 =	seq.s32 @!p0 s5, $0x0  }
0x1f: {  	s9 =	smul.u32 $0xF7A, s1;
	s8 =	simm.s32 @!p0 $0x1BF5;
	p2 =	por !p2, p0  }
0x20: {  	[sflag:s8] =	ssyncset.s32 @!p0 $0xFFFFF086;
	s6 =	sadd.s32 @!p0 s3, s7;
	s7 =	simm.s32 @!p0 $0x108  }
0x21: {  	s3 =	sadd.s32 s3, s9;
	s6 =	sadd.s32 @!p0 $0x88, s6;
	s7 =	simm.s32 @p2 $0x1082  }
0x22: {  	[simem:s7], [sflag:s8] =	dma.local @!p0 [hbm:s6], $0xF7A  }
0x23: {  	s9 =	sor.u32 $0xD0000000, s2;
	s6 =	simm.s32 $0x108;
	_ =	swait.ge @!p0 [sflag:s8], $0x0  }
0x24: {  	s3 =	sadd.s32 $0x88, s3;
	s6 =	simm.s32 @!p1 $0x1082;
	[sflag:s4] =	ssyncset.s32 $0xFFFFF086  }
0x25: {  	[simem:s6], [sflag:s4] =	dma.local [hbm:s3], $0xF7A  }
0x26: {  	[smem:$0x3F95] =	sst s1;
	(tag) =	ssettag s2;
	_ =	strace s9  }
0x27: {  	s1 =	sld [smem:$0x3FA5]  }
0x28: {  	s2 =	sld [smem:$0x3FA6]  }
0x29: {  	s4 =	sld [smem:$0x3FA8]  }
0x2a: {  	p0 =	seq.s32 s5, $0x0;
	s5 =	sld [smem:$0x3FA9]  }
0x2b: {  	s6 =	sld [smem:$0x3FAA]  }
0x2c: {  	s7 =	sld [smem:$0x3FAB]  }
0x2d: {  	s3 =	simm.s32 $0x108;
	s8 =	sld [smem:$0x3FAC]  }
0x2e: {  	s3 =	simm.s32 @!p0 $0x1082;
	s9 =	sld [smem:$0x3FAD]  }
0x2f: {  	lr =	sadd.s32 s0, s3;
	s0 =	sld [smem:$0x3FA4]  }
0x30: {  	s3 =	sld [smem:$0x3FA7]  }
0x31: {  	[smem:$0x3FB0] =	sst s10  }
0x32: {  	s10 =	sld [smem:$0x3FAE];
	_ =	sdelay $0x3  }
0x33: {  	p0 =	seq.s32 s10, $0x1;
	s10 =	sld [smem:$0x3FB0];
	_ =	sdelay $0x3  }
0x34: {  	[smem:$0x3FB0] =	sst s10  }
0x35: {  	s10 =	sld [smem:$0x3FAF];
	_ =	sdelay $0x3  }
0x36: {  	p1 =	seq.s32 s10, $0x1;
	s10 =	sld [smem:$0x3FB0];
	_ =	sdelay $0x3  }
0x37: {  	[smem:$0x3FB0] =	sst s10  }
0x38: {  	s10 =	sld [smem:$0x3FB1]  }
0x39: {  	_ = 	snop;
	(pc) =	sbr.ind lr, $3  }
0x3a: {  	_ = 	snop  }
0x3b: {  	_ = 	snop  }
0x3c: {  	p2 =	seq.s32 s10, $0x1;
	s10 =	sld [smem:$0x3FB0]  }
0x3d: {  	_ =	shalt  }
0x3e: {  	_ =	shalt  }
0x3f: {  	_ =	shalt  }
0x40: {  	_ =	shalt  }
0x41: {  	_ =	shalt  }
0x42: {  	_ =	shalt  }
0x43: {  	_ =	shalt  }
0x44: {  	_ =	shalt  }
0x45: {  	_ =	shalt  }
0x46: {  	_ =	shalt  }
0x47: {  	_ =	shalt  }
0x48: {  	_ =	shalt  }
0x49: {  	_ =	shalt  }
0x4a: {  	_ =	shalt  }
0x4b: {  	_ =	shalt  }
0x4c: {  	_ =	shalt  }
0x4d: {  	_ =	shalt  }
0x4e: {  	_ =	shalt  }
0x4f: {  	_ =	shalt  }
0x50: {  	_ =	shalt  }
0x51: {  	_ =	shalt  }
0x52: {  	_ =	shalt  }
0x53: {  	_ =	shalt  }
0x54: {  	_ =	shalt  }
0x55: {  	_ =	shalt  }
0x56: {  	_ =	shalt  }
0x57: {  	_ =	shalt  }
0x58: {  	_ =	shalt  }
0x59: {  	_ =	shalt  }
0x5a: {  	_ =	shalt  }
0x5b: {  	_ =	shalt  }
0x5c: {  	_ =	shalt  }
0x5d: {  	_ =	shalt  }
0x5e: {  	_ =	shalt  }
0x5f: {  	_ =	shalt  }
0x60: {  	_ =	shalt  }
0x61: {  	_ =	shalt  }
0x62: {  	_ =	shalt  }
0x63: {  	_ =	shalt  }
0x64: {  	_ =	shalt  }
0x65: {  	_ =	shalt  }
0x66: {  	_ =	shalt  }
0x67: {  	_ =	shalt  }
0x68: {  	_ =	shalt  }
0x69: {  	_ =	shalt  }
0x6a: {  	_ =	shalt  }
0x6b: {  	_ =	shalt  }
0x6c: {  	_ =	shalt  }
0x6d: {  	_ =	shalt  }
0x6e: {  	_ =	shalt  }
0x6f: {  	_ =	shalt  }
0x70: {  	_ =	shalt  }
0x71: {  	_ =	shalt  }
0x72: {  	_ =	shalt  }
0x73: {  	_ =	shalt  }
0x74: {  	_ =	shalt  }
0x75: {  	_ =	shalt  }
0x76: {  	_ =	shalt  }
0x77: {  	_ =	shalt  }
0x78: {  	_ =	shalt  }
0x79: {  	_ =	shalt  }
0x7a: {  	_ =	shalt  }
0x7b: {  	_ =	shalt  }
0x7c: {  	_ =	shalt  }
0x7d: {  	_ =	shalt  }
0x7e: {  	_ =	shalt  }
0x7f: {  	_ =	shalt  }
0x80: {  	_ =	shalt  }
0x81: {  	_ =	shalt  }
0x82: {  	_ =	shalt  }
0x83: {  	_ =	shalt  }
0x84: {  	_ =	shalt  }
0x85: {  	_ =	shalt  }
0x86: {  	_ =	shalt  }
0x87: {  	_ =	shalt  }
.Lfunc_end0:
.L_simem_size_0:
called_computation.1_lowered:
.L_overlay_start_0:
0x88: {  	s2 =	sld [smem:$0x3FD9]  }
0x89: {  	s3 =	sld [smem:$0x3FFE];
	_ =	sdelay $0x1  }
0x8a: {  	s1 =	srdreg.scid  }
0x8b: {  	s0 =	sand.u32 $0x1, s1  }
0x8c: {  	s16 =	sshll.u32 s0, $0xA;
	s2 =	sadd.s32 s3, s2  }
0x8d: {  	s2 =	sadd.s32 s2, s16  }
0x8e: {  	[smem:$0x3FBC] =	sst s2  }
0x8f: {  	_ = 	snop  }
0x90: {  	(tm) =	ssettm $0x1  }
0x91: {  	s17 =	sld [smem:$0x3FFB];
	_ =	sdelay $0x3  }
0x92: {  	_ =	strace s17  }
0x93: {  	s2 =	sld [smem:$0x3FFC];
	_ =	sdelay $0x3  }
0x94: {  	_ =	strace s2  }
0x95: {  	s2 =	sld [smem:$0x3FFD];
	_ =	sdelay $0x3  }
0x96: {  	_ =	strace s2  }
0x97: {  	_ =	strace $0x8FFFFFFF  }
0x98: {  	s18 =	sld [smem:$0x3FDB];
	_ =	sdelay $0x1  }
0x99: {  	s19 =	simm.s32 $_scs_section_size  }
0x9a: {  	s4 =	simm.s32 $_size__tile_overlayer_lowered;
	s5 =	simm.s32 $_tile_overlayer_lowered  }
0x9b: {  	s22 =	simm.s32 $0x1BFF;
	s21 =	sshll.u32 s5, $0x1;
	s2 =	sadd.s32 s19, s18  }
0x9c: {  	s6 =	simm.s32 $0x0;
	s20 =	sshll.u32 s4, $0x1;
	s4 =	sadd.s32 s21, s2  }
0x9d: {  	[timem:s6], [sflag:s22] =	dma.local [hbm:s4], s20  }
0x9e: {  	_ =	swait.ge [sflag:s22], s20  }
0x9f: {  	s3 =	ssub.s32 $0x0, s20;
	[sflag:s22] =	ssyncset.done $0x0  }
0xa0: {  	[sflag:s22] =	ssyncadd.s32 s3;
	_ =	sdelay $0x1  }
0xa1: {  	s23 =	simm.s32 $0x1B8B  }
0xa2: {  	_ =	swait.ge [sflag:s23], $0x1  }
0xa3: {  	[sflag:s23] =	ssyncset.done $0x0  }
0xa4: {  	s25 =	simm.s32 $0x1B8E;
	s24 =	sld [smem:$0x3FFE];
	[sflag:s23] =	ssyncadd.s32 $0xFFFFFFFF  }
0xa5: {  	s26 =	simm.s32 $execute0_lowered;
	[smem:$0x3FD2] =	sst s25  }
0xa6: {  	s4 =	sshll.u32 s26, $0x1;
	_ =	strace $0x80000049;
	[dreg:$0x1] =	wrdreg $0xFFFFFFFF  }
0xa7: {  	s28 =	simm.s32 $_size_execute0_lowered;
	s2 =	sadd.s32 s2, s4;
	[dreg:$0x0] =	wrdreg $0x0  }
0xa8: {  	s4 =	sshll.u32 s28, $0x1;
	[dreg:$0x2] =	wrdreg s2  }
0xa9: {  	[dreg:$0x3] =	wrdreg s4  }
0xaa: {  	[dreg:$0x4] =	wrdreg $0xC0  }
0xab: {  	_ =	task [dreg:s6], $0x5FFFF  }
0xac: {  	[dreg:$0x1] =	wrdreg $0xFFFFFFFF  }
0xad: {  	[dreg:$0x0] =	wrdreg $0x60  }
0xae: {  	[dreg:$0x2] =	wrdreg s24  }
0xaf: {  	[dreg:$0x3] =	wrdreg $0xB0000  }
0xb0: {  	[dreg:$0x4] =	wrdreg $0x9  }
0xb1: {  	_ =	task.clear_ibuf [dreg:s6], $0x5FFFF;
	_ =	strace $0x90000049  }
0xb2: {  	s29 =	simm.s32 $0x9;
	_ =	strace $0x8000004B  }
0xb3: {  	_ =	swait.ge [sflag:s29], $0x1  }
0xb4: {  	[sflag:s29] =	ssyncadd.s32 $0xFFFFFFFF  }
0xb5: {  	_ =	strace $0x9000004B  }
0xb6: {  	_ =	sfence  }
0xb7: {  	s30 =	sld [smem:$0x0];
	_ =	sdelay $0x2  }
0xb8: {  	s31 =	sshll.u32 s1, $0xD;
	s1 =	sshrl.u32 s1, $0x2  }
0xb9: {  	s3 =	sand.u32 $0x4000, s31;
	s1 =	sadd.s32 s1, s30  }
0xba: {  	s0 =	sor.u32 s3, s0;
	s1 =	sshll.u32 s1, $0x11  }
0xbb: {  	s0 =	sor.u32 s1, s0  }
0xbc: {  	s0 =	sadd.s32 $0x8F2B, s0  }
0xbd: {  	[sflag:s0] =	ssyncadd.remote.s32 $0x1  }
0xbe: {  	_ =	sfence.sel $0xFFFF  }
0xbf: {  	[dreg:$0x0] =	wrdreg $0xFFFFFFFF;
	(pc) =	sbr.abs _section_cstart, $3  }
0xc0: {  	[dreg:$0x1] =	wrdreg $0xFFFFFFFF  }
0xc1: {  	_ =	task.clear_ibuf [dreg:s6], $0x2FFFF;
	_ =	strace $0x9FFFFFFF  }
0xc2: {  	(tm) =	ssettm $0x7FFFFFFF  }
0xc3: {  	_ =	shalt  }
tec
execute0_lowered:
.L_overlay_start_1:
0x0: {  	(tag) =	ssettag $0x1  }
0x1: {  	s0 =	rddreg [dreg:$0x0]  }
0x2: {  	s2 =	rddreg [dreg:$0x1];
	s3 =	simm.s32 $0x0;
	s1 =	srdreg.scid  }
0x3: {  	s13 =	stileid.u32;
	s15 =	simm.s32 $0x40;
	s16 =	simm.s32 $0x2800  }
0x4: {  	s17 =	simm.s32 $0x4800;
	s18 =	simm.s32 $0x80;
	s19 =	simm.s32 $0x6800  }
0x5: {  	s20 =	simm.s32 $0xC0;
	s21 =	simm.s32 $0x8800;
	s22 =	simm.s32 $0x1  }
0x6: {  	s23 =	simm.s32 $0x2;
	s28 =	simm.s32 $0x2740;
	s29 =	simm.s32 $0x2780  }
0x7: {  	s30 =	simm.s32 $0x27C0;
	[smem:$0x7FF] =	sst s3;
	s5 =	smul.u32 $0x2800, s13  }
0x8: {  	s1 =	sand.u32 $0x1, s1;
	s6 =	sadd.s32 $0x7600, s0;
	s11 =	smul.u32 $0x50000, s13  }
0x9: {  	s8 =	sadd.s32 $0x16600, s0;
	s25 =	smul.u32 $0x500, s13;
	s13 =	simm.s32 $0x5  }
0xa: {  	_ =	strace $0x8000004A;
	s4 =	smul.u32 $0x28000, s1;
	s7 =	ssub.s32 $0x2, s1  }
0xb: {  	s1 =	smul.u32 $0x2710, s1;
	s10 =	sshrl.u32 s7, $0x1;
	s24 =	sshrl.u32 s11, $0x2  }
0xc: {  	s26 =	sshrl.u32 s5, $0x3;
	s31 =	sadd.s32 s8, s25;
	s9 =	sadd.s32 s5, s4  }
0xd: {  	s4 =	sadd.s32 $0x1B600, s0;
	s12 =	ssub.s32 s7, s10;
	s5 =	sadd.s32 s24, s2  }
0xe: {  	s10 =	sadd.s32 $0x280, s26;
	[dreg:$0x3] =	wrdreg s31;
	s7 =	sadd.s32 s6, s25  }
0xf: {  	s24 =	simm.s32 $0x3;
	s25 =	simm.s32 $0x4;
	s26 =	simm.s32 $0x2700  }
0x10: {  	s0 =	sadd.s32 s9, s0;
	s8 =	sadd.s32 s8, s10;
	s9 =	sadd.s32 s6, s10  }
0x11: {  	v1 =	vimm.f32 $0.0e+00;
	v0 =	vmov s1;
	s11 =	smax.u32 s12, $0x1;
	s12 =	simm.s32 $0xA800;
	s10 =	sadd.s32 $0x69800, s0  }
.LBB2_1:
0x12: {  	s0 =	simm.s32 $0x0;
	s1 =	simm.s32 $0x0  }
.LBB2_2:
0x13: {  	p0 =	sne.s32 s1, $0x1FC0  }
.Ltmp0:
0x14: {  	_ = 	snop;
	(pc) =	sbr.rel @p0 .LBB2_2-.Ltmp0, $4  }
0x15: {  	s6 =	sand.u32 $0x1E00, s1  }
0x16: {  	s31 =	sand.u32 $0x70, s0;
	s6 =	sshrl.u32 s6, $0x2  }
0x17: {  	s6 =	sor.u32 s31, s6  }
0x18: {  	s0 =	sadd.s32 $0x10, s0;
	s1 =	sadd.s32 $0x40, s1;
	[tilespmem:s6+$0xA800] =	vst v1  }
0x19: {  	s0 =	sadd.s32 $0x0, s5  }
0x1a: {  	[spmem:s0] =	stream.linear.scatter [tilespmem:s12], [sflag:$0x5], $0x800, $0x38;
	[tilespmem:$0x1F000] =	vst v63  }
0x1b: {  	s0 =	simm.s32 $0x2000;
	_ =	swait.ge [sflag:s13], $0x800  }
.LBB2_4:
0x1c: {  	s1 =	sshra.s32 s0, $0x2;
	[sflag:s13] =	ssyncset.done $0x0;
	p0 =	sne.s32 s0, $0x4E000  }
.Ltmp1:
0x1d: {  	s1 =	sadd.s32 s1, s5;
	[sflag:s13] =	ssyncadd.s32 $0xFFFFF800;
	(pc) =	sbr.rel @p0 .LBB2_4-.Ltmp1, $3  }
0x1e: {  	[spmem:s1] =	stream.linear.scatter [tilespmem:s12], [sflag:$0x5], $0x800, $0x38;
	[tilespmem:$0x1F000] =	vst v63  }
0x1f: {  	s0 =	sadd.s32 $0x2000, s0;
	_ =	sdelay $0x1  }
0x20: {  	_ =	swait.ge [sflag:s13], $0x800  }
0x21: {  	[sflag:s13] =	ssyncset.done $0x0;
	s0 =	simm.s32 $0x0  }
0x22: {  	s1 =	rddreg [dreg:$0x3];
	s6 =	simm.s32 $0x1400;
	[sflag:s13] =	ssyncadd.s32 $0xFFFFF800  }
0x23: {  	[tilespmem:s6], [sflag:$0x5] =	stream.linear.gather [hbm4b:s1+s0], $0x1400, $0x38;
	[tilespmem:$0x1F000] =	vst v63  }
0x24: {  	_ =	swait.ge [sflag:s13], $0x1400  }
0x25: {  	[sflag:s13] =	ssyncset.done $0x0  }
0x26: {  	[sflag:s13] =	ssyncadd.s32 $0xFFFFEC00  }
0x27: {  	[tilespmem:s0], [sflag:$0x5] =	stream.linear.gather [hbm4b:s7+s0], $0x1400, $0x38;
	[tilespmem:$0x1F000] =	vst v63  }
0x28: {  	s6 =	sand.u32 $0x7F00, s0;
	_ =	swait.ge [sflag:s13], $0x1400  }
0x29: {  	s1 =	sshrl.u32 s6, $0x2;
	s0 =	sand.u32 $0x30, s0;
	[sflag:s13] =	ssyncset.done $0x0  }
0x2a: {  	s0 =	sor.u32 s0, s1;
	[sflag:s13] =	ssyncadd.s32 $0xFFFFEC00  }
0x2b: {  	v2 =	vld [tilespmem:s0+$0x0];
	_ =	sdelay $0x2  }
0x2c: {  	s14 =	simm.s32 $0x40  }
0x2d: {  	s31 =	simm.s32 $0x10;
	s6 =	sand.u32 $0x7F00, s14;
	s1 =	simm.s32 $0x80  }
.LBB2_6:
0x2e: {  	p0 =	sne.s32 s1, $0x4FC0;
	s14 =	sand.u32 $0x30, s31;
	s6 =	sshrl.u32 s6, $0x2;
	v2 =	vadd.s32 v0, v2  }
0x2f: {  	[tilespmem:s0+$0x0] =	vst v2;
	s0 =	sor.u32 s14, s6  }
.Ltmp2:
0x30: {  	v2 =	vld [tilespmem:s0+$0x0];
	(pc) =	sbr.rel @p0 .LBB2_6-.Ltmp2, $2  }
0x31: {  	_ =	sdelay $0x2  }
0x32: {  	s31 =	sadd.s32 $0x10, s31;
	s6 =	sand.u32 $0x7F00, s1;
	s1 =	sadd.s32 $0x40, s1  }
0x33: {  	s1 =	sand.u32 $0x30, s31;
	s6 =	sshrl.u32 s6, $0x2;
	v2 =	vadd.s32 v0, v2  }
0x34: {  	s1 =	sor.u32 s1, s6;
	[tilespmem:s0+$0x0] =	vst v2  }
0x35: {  	v2 =	vld [tilespmem:s1+$0x0];
	_ =	sdelay $0x4  }
0x36: {  	v2 =	vadd.s32 v0, v2  }
0x37: {  	[tilespmem:s1+$0x0] =	vst v2  }
0x38: {  	s6 =	simm.s32 $0x0;
	[bflag:$0x0] =	sbarrier.arrive $0xFFFF  }
0x39: {  	[tilespmem:s16], [sflag:$0x1] =	stream.indirect.gather [hbm4b:s4+s15], $0x80, s6, s15, $0xb8;
	[tilespmem:$0x1F000] =	vst v63  }
0x3a: {  	_ = 	snop  }
0x3b: {  	[tilespmem:s17], [sflag:$0x2] =	stream.indirect.gather [hbm4b:s4+s15], $0x80, s15, s15, $0xb8;
	[tilespmem:$0x1F000] =	vst v63  }
0x3c: {  	_ = 	snop  }
0x3d: {  	[tilespmem:s19], [sflag:$0x3] =	stream.indirect.gather [hbm4b:s4+s15], $0x80, s18, s15, $0xb8;
	[tilespmem:$0x1F000] =	vst v63  }
0x3e: {  	_ = 	snop  }
0x3f: {  	[tilespmem:s21], [sflag:$0x4] =	stream.indirect.gather [hbm4b:s4+s15], $0x80, s20, s15, $0xb8;
	[tilespmem:$0x1F000] =	vst v63  }
0x40: {  	_ =	swait.ge [sflag:s22], $0x2000  }
0x41: {  	[sflag:s22] =	ssyncset.done $0x0  }
0x42: {  	s14 =	simm.s32 $0x1400;
	[sflag:s22] =	ssyncadd.s32 $0xFFFFE000  }
0x43: {  	[spmem:s2] =	stream.indirect.scatter.add.f32 [tilespmem:s16], [sflag:$0x5], $0x80, s14, s15, $0xb8;
	[tilespmem:$0x1F000] =	vst v63  }
0x44: {  	_ =	swait.ge [sflag:s13], $0x2000  }
0x45: {  	[sflag:s13] =	ssyncset.done $0x0  }
0x46: {  	s1 =	simm.s32 $0x100;
	[sflag:s13] =	ssyncadd.s32 $0xFFFFE000  }
0x47: {  	[tilespmem:s16], [sflag:$0x1] =	stream.indirect.gather [hbm4b:s4+s15], $0x80, s1, s15, $0xb8;
	[tilespmem:$0x1F000] =	vst v63  }
0x48: {  	_ =	swait.ge [sflag:s23], $0x2000  }
0x49: {  	[sflag:s23] =	ssyncset.done $0x0  }
0x4a: {  	s6 =	simm.s32 $0x1440;
	[sflag:s23] =	ssyncadd.s32 $0xFFFFE000  }
0x4b: {  	[spmem:s2] =	stream.indirect.scatter.add.f32 [tilespmem:s17], [sflag:$0x5], $0x80, s6, s15, $0xb8;
	[tilespmem:$0x1F000] =	vst v63  }
0x4c: {  	_ =	swait.ge [sflag:s13], $0x2000  }
0x4d: {  	[sflag:s13] =	ssyncset.done $0x0  }
0x4e: {  	s14 =	simm.s32 $0x140;
	[sflag:s13] =	ssyncadd.s32 $0xFFFFE000  }
0x4f: {  	[tilespmem:s17], [sflag:$0x2] =	stream.indirect.gather [hbm4b:s4+s15], $0x80, s14, s15, $0xb8;
	[tilespmem:$0x1F000] =	vst v63  }
0x50: {  	_ =	swait.ge [sflag:s24], $0x2000  }
0x51: {  	[sflag:s24] =	ssyncset.done $0x0  }
0x52: {  	s1 =	simm.s32 $0x1480;
	[sflag:s24] =	ssyncadd.s32 $0xFFFFE000  }
0x53: {  	[spmem:s2] =	stream.indirect.scatter.add.f32 [tilespmem:s19], [sflag:$0x5], $0x80, s1, s15, $0xb8;
	[tilespmem:$0x1F000] =	vst v63  }
0x54: {  	_ =	swait.ge [sflag:s13], $0x2000  }
0x55: {  	[sflag:s13] =	ssyncset.done $0x0  }
0x56: {  	s6 =	simm.s32 $0x180;
	[sflag:s13] =	ssyncadd.s32 $0xFFFFE000  }
0x57: {  	[tilespmem:s19], [sflag:$0x3] =	stream.indirect.gather [hbm4b:s4+s15], $0x80, s6, s15, $0xb8;
	[tilespmem:$0x1F000] =	vst v63  }
0x58: {  	_ =	swait.ge [sflag:s25], $0x2000  }
0x59: {  	[sflag:s25] =	ssyncset.done $0x0  }
0x5a: {  	s14 =	simm.s32 $0x14C0;
	[sflag:s25] =	ssyncadd.s32 $0xFFFFE000  }
0x5b: {  	[spmem:s2] =	stream.indirect.scatter.add.f32 [tilespmem:s21], [sflag:$0x5], $0x80, s14, s15, $0xb8;
	[tilespmem:$0x1F000] =	vst v63  }
0x5c: {  	_ =	swait.ge [sflag:s13], $0x2000  }
0x5d: {  	[sflag:s13] =	ssyncset.done $0x0  }
0x5e: {  	s31 =	simm.s32 $0x400;
	s0 =	simm.s32 $0x1C0;
	[sflag:s13] =	ssyncadd.s32 $0xFFFFE000  }
.LBB2_8:
0x5f: {  	[tilespmem:s21], [sflag:$0x4] =	stream.indirect.gather [hbm4b:s4+s15], $0x80, s0, s15, $0xb8;
	[tilespmem:$0x1F000] =	vst v63  }
0x60: {  	s0 =	smov.u32 s31  }
0x61: {  	p0 =	sne.s32 s31, $0x4800;
	s31 =	sadd.s32 $0x400, s31;
	_ =	swait.ge [sflag:s22], $0x2000  }
0x62: {  	s0 =	sshra.s32 s0, $0x2;
	[sflag:s22] =	ssyncset.done $0x0  }
0x63: {  	s1 =	sadd.s32 $0x1400, s0;
	[sflag:s22] =	ssyncadd.s32 $0xFFFFE000  }
0x64: {  	[spmem:s2] =	stream.indirect.scatter.add.f32 [tilespmem:s16], [sflag:$0x5], $0x80, s1, s15, $0xb8;
	[tilespmem:$0x1F000] =	vst v63  }
0x65: {  	_ =	swait.ge [sflag:s13], $0x2000  }
0x66: {  	[sflag:s13] =	ssyncset.done $0x0  }
0x67: {  	s1 =	sadd.s32 $0x100, s0;
	[sflag:s13] =	ssyncadd.s32 $0xFFFFE000  }
0x68: {  	[tilespmem:s16], [sflag:$0x1] =	stream.indirect.gather [hbm4b:s4+s15], $0x80, s1, s15, $0xb8;
	[tilespmem:$0x1F000] =	vst v63  }
0x69: {  	_ =	swait.ge [sflag:s23], $0x2000  }
0x6a: {  	[sflag:s23] =	ssyncset.done $0x0  }
0x6b: {  	s1 =	sadd.s32 $0x1440, s0;
	[sflag:s23] =	ssyncadd.s32 $0xFFFFE000  }
0x6c: {  	[spmem:s2] =	stream.indirect.scatter.add.f32 [tilespmem:s17], [sflag:$0x5], $0x80, s1, s15, $0xb8;
	[tilespmem:$0x1F000] =	vst v63  }
0x6d: {  	_ =	swait.ge [sflag:s13], $0x2000  }
0x6e: {  	[sflag:s13] =	ssyncset.done $0x0  }
0x6f: {  	s1 =	sadd.s32 $0x140, s0;
	[sflag:s13] =	ssyncadd.s32 $0xFFFFE000  }
0x70: {  	[tilespmem:s17], [sflag:$0x2] =	stream.indirect.gather [hbm4b:s4+s15], $0x80, s1, s15, $0xb8;
	[tilespmem:$0x1F000] =	vst v63  }
0x71: {  	_ =	swait.ge [sflag:s24], $0x2000  }
0x72: {  	[sflag:s24] =	ssyncset.done $0x0  }
0x73: {  	s1 =	sadd.s32 $0x1480, s0;
	[sflag:s24] =	ssyncadd.s32 $0xFFFFE000  }
0x74: {  	[spmem:s2] =	stream.indirect.scatter.add.f32 [tilespmem:s19], [sflag:$0x5], $0x80, s1, s15, $0xb8;
	[tilespmem:$0x1F000] =	vst v63  }
0x75: {  	_ =	swait.ge [sflag:s13], $0x2000  }
0x76: {  	[sflag:s13] =	ssyncset.done $0x0  }
0x77: {  	s1 =	sadd.s32 $0x180, s0;
	[sflag:s13] =	ssyncadd.s32 $0xFFFFE000  }
0x78: {  	[tilespmem:s19], [sflag:$0x3] =	stream.indirect.gather [hbm4b:s4+s15], $0x80, s1, s15, $0xb8;
	[tilespmem:$0x1F000] =	vst v63  }
0x79: {  	_ =	swait.ge [sflag:s25], $0x2000  }
0x7a: {  	[sflag:s25] =	ssyncset.done $0x0  }
.Ltmp3:
0x7b: {  	s1 =	sadd.s32 $0x14C0, s0;
	[sflag:s25] =	ssyncadd.s32 $0xFFFFE000;
	(pc) =	sbr.rel @p0 .LBB2_8-.Ltmp3, $4  }
0x7c: {  	[spmem:s2] =	stream.indirect.scatter.add.f32 [tilespmem:s21], [sflag:$0x5], $0x80, s1, s15, $0xb8;
	[tilespmem:$0x1F000] =	vst v63  }
0x7d: {  	_ =	swait.ge [sflag:s13], $0x2000  }
0x7e: {  	[sflag:s13] =	ssyncset.done $0x0  }
0x7f: {  	s0 =	sadd.s32 $0x1C0, s0;
	[sflag:s13] =	ssyncadd.s32 $0xFFFFE000  }
0x80: {  	[tilespmem:s21], [sflag:$0x4] =	stream.indirect.gather [hbm4b:s4+s15], $0x80, s0, s15, $0xb8;
	[tilespmem:$0x1F000] =	vst v63  }
0x81: {  	_ =	swait.ge [sflag:s22], $0x2000  }
0x82: {  	[sflag:s22] =	ssyncset.done $0x0  }
0x83: {  	[sflag:s22] =	ssyncadd.s32 $0xFFFFE000  }
0x84: {  	[spmem:s2] =	stream.indirect.scatter.add.f32 [tilespmem:s16], [sflag:$0x5], $0x80, s26, s15, $0xb8;
	[tilespmem:$0x1F000] =	vst v63  }
0x85: {  	_ =	swait.ge [sflag:s13], $0x2000  }
0x86: {  	[sflag:s13] =	ssyncset.done $0x0  }
0x87: {  	[sflag:s13] =	ssyncadd.s32 $0xFFFFE000  }
0x88: {  	_ =	swait.ge [sflag:s23], $0x2000  }
0x89: {  	[sflag:s23] =	ssyncset.done $0x0  }
0x8a: {  	[sflag:s23] =	ssyncadd.s32 $0xFFFFE000  }
0x8b: {  	[spmem:s2] =	stream.indirect.scatter.add.f32 [tilespmem:s17], [sflag:$0x5], $0x80, s28, s15, $0xb8;
	[tilespmem:$0x1F000] =	vst v63  }
0x8c: {  	_ =	swait.ge [sflag:s13], $0x2000  }
0x8d: {  	[sflag:s13] =	ssyncset.done $0x0  }
0x8e: {  	[sflag:s13] =	ssyncadd.s32 $0xFFFFE000  }
0x8f: {  	_ =	swait.ge [sflag:s24], $0x2000  }
0x90: {  	[sflag:s24] =	ssyncset.done $0x0  }
0x91: {  	[sflag:s24] =	ssyncadd.s32 $0xFFFFE000  }
0x92: {  	[spmem:s2] =	stream.indirect.scatter.add.f32 [tilespmem:s19], [sflag:$0x5], $0x80, s29, s15, $0xb8;
	[tilespmem:$0x1F000] =	vst v63  }
0x93: {  	_ =	swait.ge [sflag:s13], $0x2000  }
0x94: {  	[sflag:s13] =	ssyncset.done $0x0  }
0x95: {  	[sflag:s13] =	ssyncadd.s32 $0xFFFFE000  }
0x96: {  	_ =	swait.ge [sflag:s25], $0x2000  }
0x97: {  	[sflag:s25] =	ssyncset.done $0x0  }
0x98: {  	[sflag:s25] =	ssyncadd.s32 $0xFFFFE000  }
0x99: {  	[spmem:s2] =	stream.indirect.scatter.add.f32 [tilespmem:s21], [sflag:$0x5], $0x80, s30, s15, $0xb8;
	[tilespmem:$0x1F000] =	vst v63  }
0x9a: {  	_ =	swait.ge [sflag:s13], $0x2000  }
0x9b: {  	[sflag:s13] =	ssyncset.done $0x0  }
0x9c: {  	s6 =	simm.s32 $0x0;
	s1 =	simm.s32 $0x1400;
	[sflag:s13] =	ssyncadd.s32 $0xFFFFE000  }
0x9d: {  	[tilespmem:s1], [sflag:$0x5] =	stream.linear.gather [hbm4b:s8+s6], $0x1400, $0x38;
	[tilespmem:$0x1F000] =	vst v63  }
0x9e: {  	_ =	swait.ge [sflag:s13], $0x1400  }
0x9f: {  	[sflag:s13] =	ssyncset.done $0x0  }
0xa0: {  	[sflag:s13] =	ssyncadd.s32 $0xFFFFEC00  }
0xa1: {  	[tilespmem:s6], [sflag:$0x5] =	stream.linear.gather [hbm4b:s9+s6], $0x1400, $0x38;
	[tilespmem:$0x1F000] =	vst v63  }
0xa2: {  	s14 =	sand.u32 $0x7F00, s6;
	_ =	swait.ge [sflag:s13], $0x1400  }
0xa3: {  	s0 =	sand.u32 $0x30, s6;
	s1 =	sshrl.u32 s14, $0x2;
	[sflag:s13] =	ssyncset.done $0x0  }
0xa4: {  	s0 =	sor.u32 s0, s1;
	[sflag:s13] =	ssyncadd.s32 $0xFFFFEC00  }
0xa5: {  	v2 =	vld [tilespmem:s0+$0x0];
	_ =	sdelay $0x2  }
0xa6: {  	s6 =	simm.s32 $0x40  }
0xa7: {  	s31 =	simm.s32 $0x10;
	s1 =	simm.s32 $0x80;
	s6 =	sand.u32 $0x7F00, s6  }
.LBB2_10:
0xa8: {  	p0 =	sne.s32 s1, $0x4FC0;
	s14 =	sand.u32 $0x30, s31;
	s6 =	sshrl.u32 s6, $0x2;
	v2 =	vadd.s32 v0, v2  }
0xa9: {  	[tilespmem:s0+$0x0] =	vst v2;
	s0 =	sor.u32 s14, s6  }
.Ltmp4:
0xaa: {  	v2 =	vld [tilespmem:s0+$0x0];
	(pc) =	sbr.rel @p0 .LBB2_10-.Ltmp4, $2  }
0xab: {  	_ =	sdelay $0x2  }
0xac: {  	s31 =	sadd.s32 $0x10, s31;
	s6 =	sand.u32 $0x7F00, s1;
	s1 =	sadd.s32 $0x40, s1  }
0xad: {  	s1 =	sand.u32 $0x30, s31;
	s6 =	sshrl.u32 s6, $0x2;
	v2 =	vadd.s32 v0, v2  }
0xae: {  	s1 =	sor.u32 s1, s6;
	[tilespmem:s0+$0x0] =	vst v2  }
0xaf: {  	v2 =	vld [tilespmem:s1+$0x0];
	_ =	sdelay $0x4  }
0xb0: {  	v2 =	vadd.s32 v0, v2  }
0xb1: {  	s6 =	simm.s32 $0x0;
	[tilespmem:s1+$0x0] =	vst v2  }
0xb2: {  	[tilespmem:s16], [sflag:$0x1] =	stream.indirect.gather [hbm4b:s4+s15], $0x80, s6, s15, $0xb8;
	[tilespmem:$0x1F000] =	vst v63  }
0xb3: {  	_ = 	snop  }
0xb4: {  	[tilespmem:s17], [sflag:$0x2] =	stream.indirect.gather [hbm4b:s4+s15], $0x80, s15, s15, $0xb8;
	[tilespmem:$0x1F000] =	vst v63  }
0xb5: {  	_ = 	snop  }
0xb6: {  	[tilespmem:s19], [sflag:$0x3] =	stream.indirect.gather [hbm4b:s4+s15], $0x80, s18, s15, $0xb8;
	[tilespmem:$0x1F000] =	vst v63  }
0xb7: {  	_ = 	snop  }
0xb8: {  	[tilespmem:s21], [sflag:$0x4] =	stream.indirect.gather [hbm4b:s4+s15], $0x80, s20, s15, $0xb8;
	[tilespmem:$0x1F000] =	vst v63  }
0xb9: {  	_ =	swait.ge [sflag:s22], $0x2000  }
0xba: {  	[sflag:s22] =	ssyncset.done $0x0  }
0xbb: {  	s14 =	simm.s32 $0x1400;
	[sflag:s22] =	ssyncadd.s32 $0xFFFFE000  }
0xbc: {  	[spmem:s2] =	stream.indirect.scatter.add.f32 [tilespmem:s16], [sflag:$0x5], $0x80, s14, s15, $0xb8;
	[tilespmem:$0x1F000] =	vst v63  }
0xbd: {  	_ =	swait.ge [sflag:s13], $0x2000  }
0xbe: {  	[sflag:s13] =	ssyncset.done $0x0  }
0xbf: {  	s1 =	simm.s32 $0x100;
	[sflag:s13] =	ssyncadd.s32 $0xFFFFE000  }
0xc0: {  	[tilespmem:s16], [sflag:$0x1] =	stream.indirect.gather [hbm4b:s4+s15], $0x80, s1, s15, $0xb8;
	[tilespmem:$0x1F000] =	vst v63  }
0xc1: {  	_ =	swait.ge [sflag:s23], $0x2000  }
0xc2: {  	[sflag:s23] =	ssyncset.done $0x0  }
0xc3: {  	s6 =	simm.s32 $0x1440;
	[sflag:s23] =	ssyncadd.s32 $0xFFFFE000  }
0xc4: {  	[spmem:s2] =	stream.indirect.scatter.add.f32 [tilespmem:s17], [sflag:$0x5], $0x80, s6, s15, $0xb8;
	[tilespmem:$0x1F000] =	vst v63  }
0xc5: {  	_ =	swait.ge [sflag:s13], $0x2000  }
0xc6: {  	[sflag:s13] =	ssyncset.done $0x0  }
0xc7: {  	s14 =	simm.s32 $0x140;
	[sflag:s13] =	ssyncadd.s32 $0xFFFFE000  }
0xc8: {  	[tilespmem:s17], [sflag:$0x2] =	stream.indirect.gather [hbm4b:s4+s15], $0x80, s14, s15, $0xb8;
	[tilespmem:$0x1F000] =	vst v63  }
0xc9: {  	_ =	swait.ge [sflag:s24], $0x2000  }
0xca: {  	[sflag:s24] =	ssyncset.done $0x0  }
0xcb: {  	s1 =	simm.s32 $0x1480;
	[sflag:s24] =	ssyncadd.s32 $0xFFFFE000  }
0xcc: {  	[spmem:s2] =	stream.indirect.scatter.add.f32 [tilespmem:s19], [sflag:$0x5], $0x80, s1, s15, $0xb8;
	[tilespmem:$0x1F000] =	vst v63  }
0xcd: {  	_ =	swait.ge [sflag:s13], $0x2000  }
0xce: {  	[sflag:s13] =	ssyncset.done $0x0  }
0xcf: {  	s6 =	simm.s32 $0x180;
	[sflag:s13] =	ssyncadd.s32 $0xFFFFE000  }
0xd0: {  	[tilespmem:s19], [sflag:$0x3] =	stream.indirect.gather [hbm4b:s4+s15], $0x80, s6, s15, $0xb8;
	[tilespmem:$0x1F000] =	vst v63  }
0xd1: {  	_ =	swait.ge [sflag:s25], $0x2000  }
0xd2: {  	[sflag:s25] =	ssyncset.done $0x0  }
0xd3: {  	s14 =	simm.s32 $0x14C0;
	[sflag:s25] =	ssyncadd.s32 $0xFFFFE000  }
0xd4: {  	[spmem:s2] =	stream.indirect.scatter.add.f32 [tilespmem:s21], [sflag:$0x5], $0x80, s14, s15, $0xb8;
	[tilespmem:$0x1F000] =	vst v63  }
0xd5: {  	_ =	swait.ge [sflag:s13], $0x2000  }
0xd6: {  	[sflag:s13] =	ssyncset.done $0x0  }
0xd7: {  	s31 =	simm.s32 $0x400;
	s0 =	simm.s32 $0x1C0;
	[sflag:s13] =	ssyncadd.s32 $0xFFFFE000  }
.LBB2_12:
0xd8: {  	[tilespmem:s21], [sflag:$0x4] =	stream.indirect.gather [hbm4b:s4+s15], $0x80, s0, s15, $0xb8;
	[tilespmem:$0x1F000] =	vst v63  }
0xd9: {  	s0 =	smov.u32 s31  }
0xda: {  	p0 =	sne.s32 s31, $0x4800;
	s31 =	sadd.s32 $0x400, s31;
	_ =	swait.ge [sflag:s22], $0x2000  }
0xdb: {  	s0 =	sshra.s32 s0, $0x2;
	[sflag:s22] =	ssyncset.done $0x0  }
0xdc: {  	s1 =	sadd.s32 $0x1400, s0;
	[sflag:s22] =	ssyncadd.s32 $0xFFFFE000  }
0xdd: {  	[spmem:s2] =	stream.indirect.scatter.add.f32 [tilespmem:s16], [sflag:$0x5], $0x80, s1, s15, $0xb8;
	[tilespmem:$0x1F000] =	vst v63  }
0xde: {  	_ =	swait.ge [sflag:s13], $0x2000  }
0xdf: {  	[sflag:s13] =	ssyncset.done $0x0  }
0xe0: {  	s1 =	sadd.s32 $0x100, s0;
	[sflag:s13] =	ssyncadd.s32 $0xFFFFE000  }
0xe1: {  	[tilespmem:s16], [sflag:$0x1] =	stream.indirect.gather [hbm4b:s4+s15], $0x80, s1, s15, $0xb8;
	[tilespmem:$0x1F000] =	vst v63  }
0xe2: {  	_ =	swait.ge [sflag:s23], $0x2000  }
0xe3: {  	[sflag:s23] =	ssyncset.done $0x0  }
0xe4: {  	s1 =	sadd.s32 $0x1440, s0;
	[sflag:s23] =	ssyncadd.s32 $0xFFFFE000  }
0xe5: {  	[spmem:s2] =	stream.indirect.scatter.add.f32 [tilespmem:s17], [sflag:$0x5], $0x80, s1, s15, $0xb8;
	[tilespmem:$0x1F000] =	vst v63  }
0xe6: {  	_ =	swait.ge [sflag:s13], $0x2000  }
0xe7: {  	[sflag:s13] =	ssyncset.done $0x0  }
0xe8: {  	s1 =	sadd.s32 $0x140, s0;
	[sflag:s13] =	ssyncadd.s32 $0xFFFFE000  }
0xe9: {  	[tilespmem:s17], [sflag:$0x2] =	stream.indirect.gather [hbm4b:s4+s15], $0x80, s1, s15, $0xb8;
	[tilespmem:$0x1F000] =	vst v63  }
0xea: {  	_ =	swait.ge [sflag:s24], $0x2000  }
0xeb: {  	[sflag:s24] =	ssyncset.done $0x0  }
0xec: {  	s1 =	sadd.s32 $0x1480, s0;
	[sflag:s24] =	ssyncadd.s32 $0xFFFFE000  }
0xed: {  	[spmem:s2] =	stream.indirect.scatter.add.f32 [tilespmem:s19], [sflag:$0x5], $0x80, s1, s15, $0xb8;
	[tilespmem:$0x1F000] =	vst v63  }
0xee: {  	_ =	swait.ge [sflag:s13], $0x2000  }
0xef: {  	[sflag:s13] =	ssyncset.done $0x0  }
0xf0: {  	s1 =	sadd.s32 $0x180, s0;
	[sflag:s13] =	ssyncadd.s32 $0xFFFFE000  }
0xf1: {  	[tilespmem:s19], [sflag:$0x3] =	stream.indirect.gather [hbm4b:s4+s15], $0x80, s1, s15, $0xb8;
	[tilespmem:$0x1F000] =	vst v63  }
0xf2: {  	_ =	swait.ge [sflag:s25], $0x2000  }
0xf3: {  	[sflag:s25] =	ssyncset.done $0x0  }
.Ltmp5:
0xf4: {  	s1 =	sadd.s32 $0x14C0, s0;
	[sflag:s25] =	ssyncadd.s32 $0xFFFFE000;
	(pc) =	sbr.rel @p0 .LBB2_12-.Ltmp5, $4  }
0xf5: {  	[spmem:s2] =	stream.indirect.scatter.add.f32 [tilespmem:s21], [sflag:$0x5], $0x80, s1, s15, $0xb8;
	[tilespmem:$0x1F000] =	vst v63  }
0xf6: {  	_ =	swait.ge [sflag:s13], $0x2000  }
0xf7: {  	[sflag:s13] =	ssyncset.done $0x0  }
0xf8: {  	s0 =	sadd.s32 $0x1C0, s0;
	[sflag:s13] =	ssyncadd.s32 $0xFFFFE000  }
0xf9: {  	[tilespmem:s21], [sflag:$0x4] =	stream.indirect.gather [hbm4b:s4+s15], $0x80, s0, s15, $0xb8;
	[tilespmem:$0x1F000] =	vst v63  }
0xfa: {  	_ =	swait.ge [sflag:s22], $0x2000  }
0xfb: {  	[sflag:s22] =	ssyncset.done $0x0  }
0xfc: {  	[sflag:s22] =	ssyncadd.s32 $0xFFFFE000  }
0xfd: {  	[spmem:s2] =	stream.indirect.scatter.add.f32 [tilespmem:s16], [sflag:$0x5], $0x80, s26, s15, $0xb8;
	[tilespmem:$0x1F000] =	vst v63  }
0xfe: {  	_ =	swait.ge [sflag:s13], $0x2000  }
0xff: {  	[sflag:s13] =	ssyncset.done $0x0  }
0x100: {  	[sflag:s13] =	ssyncadd.s32 $0xFFFFE000  }
0x101: {  	_ =	swait.ge [sflag:s23], $0x2000  }
0x102: {  	[sflag:s23] =	ssyncset.done $0x0  }
0x103: {  	[sflag:s23] =	ssyncadd.s32 $0xFFFFE000  }
0x104: {  	[spmem:s2] =	stream.indirect.scatter.add.f32 [tilespmem:s17], [sflag:$0x5], $0x80, s28, s15, $0xb8;
	[tilespmem:$0x1F000] =	vst v63  }
0x105: {  	_ =	swait.ge [sflag:s13], $0x2000  }
0x106: {  	[sflag:s13] =	ssyncset.done $0x0  }
0x107: {  	[sflag:s13] =	ssyncadd.s32 $0xFFFFE000  }
0x108: {  	_ =	swait.ge [sflag:s24], $0x2000  }
0x109: {  	[sflag:s24] =	ssyncset.done $0x0  }
0x10a: {  	[sflag:s24] =	ssyncadd.s32 $0xFFFFE000  }
0x10b: {  	[spmem:s2] =	stream.indirect.scatter.add.f32 [tilespmem:s19], [sflag:$0x5], $0x80, s29, s15, $0xb8;
	[tilespmem:$0x1F000] =	vst v63  }
0x10c: {  	_ =	swait.ge [sflag:s13], $0x2000  }
0x10d: {  	[sflag:s13] =	ssyncset.done $0x0  }
0x10e: {  	[sflag:s13] =	ssyncadd.s32 $0xFFFFE000  }
0x10f: {  	_ =	swait.ge [sflag:s25], $0x2000  }
0x110: {  	[sflag:s25] =	ssyncset.done $0x0  }
0x111: {  	[sflag:s25] =	ssyncadd.s32 $0xFFFFE000  }
0x112: {  	[spmem:s2] =	stream.indirect.scatter.add.f32 [tilespmem:s21], [sflag:$0x5], $0x80, s30, s15, $0xb8;
	[tilespmem:$0x1F000] =	vst v63  }
0x113: {  	s31 =	stileid.u32;
	_ =	swait.ge [sflag:s13], $0x2000  }
0x114: {  	s1 =	sshrl.u32 s5, $0x3;
	s3 =	sadd.s32 $0x1, s3;
	[sflag:s13] =	ssyncset.done $0x0  }
0x115: {  	s0 =	sshll.u32 s31, $0x6;
	p0 =	sne.s32 s3, s11;
	[sflag:s13] =	ssyncadd.s32 $0xFFFFE000  }
.Ltmp6:
0x116: {  	s0 =	sor.u32 $0x1C05, s0;
	[bflag:$0x0] =	sbarrier.arrive $0xFFFF;
	(pc) =	sbr.rel @p0 .LBB2_1-.Ltmp6, $4  }
0x117: {  	[hbm:s10], [sflag:s0] =	dma.local [spmem:s1], $0x2800  }
0x118: {  	_ =	swait.ge [sflag:s13], $0x2800  }
0x119: {  	[sflag:s13] =	ssyncset.done $0x0  }
0x11a: {  	[sflag:s13] =	ssyncadd.s32 $0xFFFFD800  }
0x11b: {  	_ =	sfence.sel $0x180000  }
0x11c: {  	[bflag:$0x0] =	sbarrier.arrive $0xFFFF  }
0x11d: {  	_ =	strace $0x9000004A  }
0x11e: {  	s0 =	stileid.u32;
	[bflag:$0x2] =	sbarrier.arrive $0xFFFF  }
0x11f: {  	p0 =	sne.s32 s0, $0x0;
	s0 =	rddreg [dreg:$0x2]  }
0x120: {  	s0 =	sadd.s32 @!p0 $0x100000, s0  }
0x121: {  	[sflag:s0] =	ssyncadd.tile.s32 @!p0 $0x1;
	_ =	shalt  }
.Lfunc_end2:
_tile_overlayer_lowered:
.L_overlay_start_2:
0x122: {  	(tag) =	ssettag $0x2  }
0x123: {  	s0 =	rddreg [dreg:$0x0];
	s2 =	stileid.u32  }
0x124: {  	s1 =	rddreg [dreg:$0x1];
	p0 =	sne.s32 s2, $0x0  }
0x125: {  	s3 =	rddreg [dreg:$0x2];
	[bflag:$0x3] =	sbarrier.arrive $0xFFFF;
	s2 =	simm.s32 @!p0 $0x1C05  }
0x126: {  	[timem:s3], [sflag:s2] =	dma.local @!p0 [hbm:s0], s1  }
0x127: {  	s0 =	simm.s32 @!p0 $0x5  }
0x128: {  	_ =	swait.ge @!p0 [sflag:s0], s1  }
0x129: {  	s1 =	ssub.s32 @!p0 $0x0, s1;
	[sflag:s0] =	ssyncset.done @!p0 $0x0  }
0x12a: {  	[sflag:s0] =	ssyncadd.s32 @!p0 s1  }
0x12b: {  	[bflag:$0x3] =	sbarrier.arrive $0xFFFF  }
0x12c: {  	_ =	shalt  }

// kernel: kernel.7.cloned.1.call-start
scs
__scs_entry_jumppad:
0x0: {  	(pc) =	sbr.rel $0x88, $3  }
0x1: {  	(tag) =	ssettag $0x0;
	lr =	simm.s32 $0x1  }
0x2: {  	[smem:$0x3F95] =	sst lr;
	_ =	strace $0xD0000000  }
0x3: {  	_ = 	snop  }
0x4: {  	_ = 	snop  }
0x5: {  	_ = 	snop  }
0x6: {  	_ = 	snop  }
0x7: {  	_ = 	snop  }
__scs_overlays_trampoline_lowered:
0x8: {  	[smem:$0x3FA4] =	sst s0  }
0x9: {  	[smem:$0x3FA5] =	sst s1  }
0xa: {  	[smem:$0x3FA6] =	sst s2  }
0xb: {  	[smem:$0x3FA7] =	sst s3  }
0xc: {  	[smem:$0x3FA8] =	sst s4  }
0xd: {  	[smem:$0x3FA9] =	sst s5  }
0xe: {  	[smem:$0x3FAA] =	sst s6  }
0xf: {  	[smem:$0x3FAB] =	sst s7  }
0x10: {  	[smem:$0x3FAC] =	sst s8  }
0x11: {  	[smem:$0x3FAD] =	sst s9;
	s0 =	simm.s32 @!p0 $0x0  }
0x12: {  	s1 =	sld [smem:$0x3F93];
	s0 =	simm.s32 @p0 $0x1  }
0x13: {  	[smem:$0x3FAE] =	sst s0;
	s0 =	simm.s32 @!p1 $0x0  }
0x14: {  	s2 =	sld [smem:$0x3F92];
	s0 =	simm.s32 @p1 $0x1  }
0x15: {  	[smem:$0x3FAF] =	sst s0;
	s0 =	simm.s32 @!p2 $0x0  }
0x16: {  	s3 =	sld [smem:$0x3FDB];
	s0 =	simm.s32 @p2 $0x1  }
0x17: {  	s4 =	simm.s32 $0x1BF5;
	[smem:$0x3FB1] =	sst s0  }
0x18: {  	s0 =	sld [smem:$0x3F94];
	_ =	swait.ge [sflag:s4], $0x0  }
0x19: {  	s7 =	sld [smem:$0x3F95]  }
0x1a: {  	s8 =	sadd.s32 $0xFFFFE003, lr  }
0x1b: {  	s9 =	sadd.s32 $0xFFFFFEF7, lr;
	s5 =	simm.s32 $0xFFFFFFFF;
	p2 =	slt.u32 s8, $0xFFFFF086  }
0x1c: {  	p1 =	slt.u32 s9, $0xF7A;
	s5 =	simm.s32 @!p2 $0x0  }
0x1d: {  	s5 =	simm.s32 @p1 $0x1;
	p0 =	seq.s32 s7, s2  }
0x1e: {  	s7 =	smul.u32 @!p0 $0xF7A, s2;
	p2 =	seq.s32 @!p0 s5, $0x0  }
0x1f: {  	s9 =	smul.u32 $0xF7A, s1;
	s8 =	simm.s32 @!p0 $0x1BF5;
	p2 =	por !p2, p0  }
0x20: {  	[sflag:s8] =	ssyncset.s32 @!p0 $0xFFFFF086;
	s6 =	sadd.s32 @!p0 s3, s7;
	s7 =	simm.s32 @!p0 $0x108  }
0x21: {  	s3 =	sadd.s32 s3, s9;
	s6 =	sadd.s32 @!p0 $0x88, s6;
	s7 =	simm.s32 @p2 $0x1082  }
0x22: {  	[simem:s7], [sflag:s8] =	dma.local @!p0 [hbm:s6], $0xF7A  }
0x23: {  	s9 =	sor.u32 $0xD0000000, s2;
	s6 =	simm.s32 $0x108;
	_ =	swait.ge @!p0 [sflag:s8], $0x0  }
0x24: {  	s3 =	sadd.s32 $0x88, s3;
	s6 =	simm.s32 @!p1 $0x1082;
	[sflag:s4] =	ssyncset.s32 $0xFFFFF086  }
0x25: {  	[simem:s6], [sflag:s4] =	dma.local [hbm:s3], $0xF7A  }
0x26: {  	[smem:$0x3F95] =	sst s1;
	(tag) =	ssettag s2;
	_ =	strace s9  }
0x27: {  	s1 =	sld [smem:$0x3FA5]  }
0x28: {  	s2 =	sld [smem:$0x3FA6]  }
0x29: {  	s4 =	sld [smem:$0x3FA8]  }
0x2a: {  	p0 =	seq.s32 s5, $0x0;
	s5 =	sld [smem:$0x3FA9]  }
0x2b: {  	s6 =	sld [smem:$0x3FAA]  }
0x2c: {  	s7 =	sld [smem:$0x3FAB]  }
0x2d: {  	s3 =	simm.s32 $0x108;
	s8 =	sld [smem:$0x3FAC]  }
0x2e: {  	s3 =	simm.s32 @!p0 $0x1082;
	s9 =	sld [smem:$0x3FAD]  }
0x2f: {  	lr =	sadd.s32 s0, s3;
	s0 =	sld [smem:$0x3FA4]  }
0x30: {  	s3 =	sld [smem:$0x3FA7]  }
0x31: {  	[smem:$0x3FB0] =	sst s10  }
0x32: {  	s10 =	sld [smem:$0x3FAE];
	_ =	sdelay $0x3  }
0x33: {  	p0 =	seq.s32 s10, $0x1;
	s10 =	sld [smem:$0x3FB0];
	_ =	sdelay $0x3  }
0x34: {  	[smem:$0x3FB0] =	sst s10  }
0x35: {  	s10 =	sld [smem:$0x3FAF];
	_ =	sdelay $0x3  }
0x36: {  	p1 =	seq.s32 s10, $0x1;
	s10 =	sld [smem:$0x3FB0];
	_ =	sdelay $0x3  }
0x37: {  	[smem:$0x3FB0] =	sst s10  }
0x38: {  	s10 =	sld [smem:$0x3FB1]  }
0x39: {  	_ = 	snop;
	(pc) =	sbr.ind lr, $3  }
0x3a: {  	_ = 	snop  }
0x3b: {  	_ = 	snop  }
0x3c: {  	p2 =	seq.s32 s10, $0x1;
	s10 =	sld [smem:$0x3FB0]  }
0x3d: {  	_ =	shalt  }
0x3e: {  	_ =	shalt  }
0x3f: {  	_ =	shalt  }
0x40: {  	_ =	shalt  }
0x41: {  	_ =	shalt  }
0x42: {  	_ =	shalt  }
0x43: {  	_ =	shalt  }
0x44: {  	_ =	shalt  }
0x45: {  	_ =	shalt  }
0x46: {  	_ =	shalt  }
0x47: {  	_ =	shalt  }
0x48: {  	_ =	shalt  }
0x49: {  	_ =	shalt  }
0x4a: {  	_ =	shalt  }
0x4b: {  	_ =	shalt  }
0x4c: {  	_ =	shalt  }
0x4d: {  	_ =	shalt  }
0x4e: {  	_ =	shalt  }
0x4f: {  	_ =	shalt  }
0x50: {  	_ =	shalt  }
0x51: {  	_ =	shalt  }
0x52: {  	_ =	shalt  }
0x53: {  	_ =	shalt  }
0x54: {  	_ =	shalt  }
0x55: {  	_ =	shalt  }
0x56: {  	_ =	shalt  }
0x57: {  	_ =	shalt  }
0x58: {  	_ =	shalt  }
0x59: {  	_ =	shalt  }
0x5a: {  	_ =	shalt  }
0x5b: {  	_ =	shalt  }
0x5c: {  	_ =	shalt  }
0x5d: {  	_ =	shalt  }
0x5e: {  	_ =	shalt  }
0x5f: {  	_ =	shalt  }
0x60: {  	_ =	shalt  }
0x61: {  	_ =	shalt  }
0x62: {  	_ =	shalt  }
0x63: {  	_ =	shalt  }
0x64: {  	_ =	shalt  }
0x65: {  	_ =	shalt  }
0x66: {  	_ =	shalt  }
0x67: {  	_ =	shalt  }
0x68: {  	_ =	shalt  }
0x69: {  	_ =	shalt  }
0x6a: {  	_ =	shalt  }
0x6b: {  	_ =	shalt  }
0x6c: {  	_ =	shalt  }
0x6d: {  	_ =	shalt  }
0x6e: {  	_ =	shalt  }
0x6f: {  	_ =	shalt  }
0x70: {  	_ =	shalt  }
0x71: {  	_ =	shalt  }
0x72: {  	_ =	shalt  }
0x73: {  	_ =	shalt  }
0x74: {  	_ =	shalt  }
0x75: {  	_ =	shalt  }
0x76: {  	_ =	shalt  }
0x77: {  	_ =	shalt  }
0x78: {  	_ =	shalt  }
0x79: {  	_ =	shalt  }
0x7a: {  	_ =	shalt  }
0x7b: {  	_ =	shalt  }
0x7c: {  	_ =	shalt  }
0x7d: {  	_ =	shalt  }
0x7e: {  	_ =	shalt  }
0x7f: {  	_ =	shalt  }
0x80: {  	_ =	shalt  }
0x81: {  	_ =	shalt  }
0x82: {  	_ =	shalt  }
0x83: {  	_ =	shalt  }
0x84: {  	_ =	shalt  }
0x85: {  	_ =	shalt  }
0x86: {  	_ =	shalt  }
0x87: {  	_ =	shalt  }
.Lfunc_end0:
.L_simem_size_0:
called_computation_lowered:
.L_overlay_start_0:
0x88: {  	s2 =	sld [smem:$0x3FD9]  }
0x89: {  	s3 =	sld [smem:$0x3FFE];
	_ =	sdelay $0x1  }
0x8a: {  	s1 =	srdreg.scid  }
0x8b: {  	s0 =	sand.u32 $0x1, s1  }
0x8c: {  	s16 =	sshll.u32 s0, $0xA;
	s2 =	sadd.s32 s3, s2  }
0x8d: {  	s2 =	sadd.s32 s2, s16  }
0x8e: {  	[smem:$0x3FBC] =	sst s2  }
0x8f: {  	_ = 	snop  }
0x90: {  	(tm) =	ssettm $0x1  }
0x91: {  	s17 =	sld [smem:$0x3FFB];
	_ =	sdelay $0x3  }
0x92: {  	_ =	strace s17  }
0x93: {  	s2 =	sld [smem:$0x3FFC];
	_ =	sdelay $0x3  }
0x94: {  	_ =	strace s2  }
0x95: {  	s2 =	sld [smem:$0x3FFD];
	_ =	sdelay $0x3  }
0x96: {  	_ =	strace s2  }
0x97: {  	_ =	strace $0x8FFFFFFF  }
0x98: {  	s18 =	sld [smem:$0x3FDB];
	_ =	sdelay $0x1  }
0x99: {  	s19 =	simm.s32 $_scs_section_size  }
0x9a: {  	s4 =	simm.s32 $_size__tile_overlayer_lowered;
	s5 =	simm.s32 $_tile_overlayer_lowered  }
0x9b: {  	s22 =	simm.s32 $0x1BFF;
	s21 =	sshll.u32 s5, $0x1;
	s2 =	sadd.s32 s19, s18  }
0x9c: {  	s6 =	simm.s32 $0x0;
	s20 =	sshll.u32 s4, $0x1;
	s4 =	sadd.s32 s21, s2  }
0x9d: {  	[timem:s6], [sflag:s22] =	dma.local [hbm:s4], s20  }
0x9e: {  	_ =	swait.ge [sflag:s22], s20  }
0x9f: {  	s3 =	ssub.s32 $0x0, s20;
	[sflag:s22] =	ssyncset.done $0x0  }
0xa0: {  	[sflag:s22] =	ssyncadd.s32 s3;
	_ =	sdelay $0x1  }
0xa1: {  	s23 =	simm.s32 $0x1B8B  }
0xa2: {  	_ =	swait.ge [sflag:s23], $0x1  }
0xa3: {  	[sflag:s23] =	ssyncset.done $0x0  }
0xa4: {  	s25 =	simm.s32 $0x1B8E;
	s24 =	sld [smem:$0x3FFE];
	[sflag:s23] =	ssyncadd.s32 $0xFFFFFFFF  }
0xa5: {  	s26 =	simm.s32 $execute0_lowered;
	[smem:$0x3FD2] =	sst s25  }
0xa6: {  	s4 =	sshll.u32 s26, $0x1;
	_ =	strace $0x80000046;
	[dreg:$0x1] =	wrdreg $0xFFFFFFFF  }
0xa7: {  	s28 =	simm.s32 $_size_execute0_lowered;
	s2 =	sadd.s32 s2, s4;
	[dreg:$0x0] =	wrdreg $0x0  }
0xa8: {  	s4 =	sshll.u32 s28, $0x1;
	[dreg:$0x2] =	wrdreg s2  }
0xa9: {  	[dreg:$0x3] =	wrdreg s4  }
0xaa: {  	[dreg:$0x4] =	wrdreg $0xC0  }
0xab: {  	_ =	task [dreg:s6], $0x5FFFF  }
0xac: {  	[dreg:$0x1] =	wrdreg $0xFFFFFFFF  }
0xad: {  	[dreg:$0x0] =	wrdreg $0x60  }
0xae: {  	[dreg:$0x2] =	wrdreg s24  }
0xaf: {  	[dreg:$0x3] =	wrdreg $0x6C000  }
0xb0: {  	[dreg:$0x4] =	wrdreg $0x9  }
0xb1: {  	_ =	task.clear_ibuf [dreg:s6], $0x5FFFF;
	_ =	strace $0x90000046  }
0xb2: {  	s29 =	simm.s32 $0x9;
	_ =	strace $0x80000048  }
0xb3: {  	_ =	swait.ge [sflag:s29], $0x1  }
0xb4: {  	[sflag:s29] =	ssyncadd.s32 $0xFFFFFFFF  }
0xb5: {  	_ =	strace $0x90000048  }
0xb6: {  	_ =	sfence  }
0xb7: {  	s30 =	sld [smem:$0x0];
	_ =	sdelay $0x2  }
0xb8: {  	s31 =	sshll.u32 s1, $0xD;
	s1 =	sshrl.u32 s1, $0x2  }
0xb9: {  	s3 =	sand.u32 $0x4000, s31;
	s1 =	sadd.s32 s1, s30  }
0xba: {  	s0 =	sor.u32 s3, s0;
	s1 =	sshll.u32 s1, $0x11  }
0xbb: {  	s0 =	sor.u32 s1, s0  }
0xbc: {  	s0 =	sadd.s32 $0x8F2B, s0  }
0xbd: {  	[sflag:s0] =	ssyncadd.remote.s32 $0x1  }
0xbe: {  	_ =	sfence.sel $0xFFFF  }
0xbf: {  	[dreg:$0x0] =	wrdreg $0xFFFFFFFF;
	(pc) =	sbr.abs _section_cstart, $3  }
0xc0: {  	[dreg:$0x1] =	wrdreg $0xFFFFFFFF  }
0xc1: {  	_ =	task.clear_ibuf [dreg:s6], $0x2FFFF;
	_ =	strace $0x9FFFFFFF  }
0xc2: {  	(tm) =	ssettm $0x7FFFFFFF  }
0xc3: {  	_ =	shalt  }
tec
execute0_lowered:
.L_overlay_start_1:
0x0: {  	(tag) =	ssettag $0x1  }
0x1: {  	s4 =	rddreg [dreg:$0x0]  }
0x2: {  	s2 =	rddreg [dreg:$0x1]  }
0x3: {  	s3 =	srdreg.scid;
	s1 =	stileid.u32  }
0x4: {  	s0 =	rddreg [dreg:$0x2];
	s12 =	simm.s32 $0x1400;
	s13 =	simm.s32 $0x80  }
0x5: {  	s14 =	simm.s32 $0x3C00;
	s17 =	simm.s32 $0x4;
	s18 =	simm.s32 $0x2  }
0x6: {  	s19 =	simm.s32 $0x0;
	s5 =	sand.u32 $0x1, s3;
	s7 =	smul.u32 $0x5000, s1  }
0x7: {  	s6 =	sshll.u32 s1, $0x1;
	s3 =	simm.s32 $0x0;
	s28 =	smul.u32 $0xA000, s1  }
0x8: {  	s15 =	sshll.u32 s1, $0x6;
	s6 =	sor.u32 s5, s6;
	[smem:$0x7FF] =	sst s3  }
0x9: {  	s8 =	sshll.u32 s5, $0x4;
	s5 =	ssub.s32 $0x2, s5;
	s15 =	sor.u32 $0x1C01, s15  }
0xa: {  	s6 =	smul.u32 $0x280, s6;
	_ =	strace $0x80000047;
	s7 =	sor.u32 s8, s7  }
0xb: {  	s30 =	sshrl.u32 s5, $0x1;
	s31 =	sshrl.u32 s28, $0x2;
	s29 =	sshrl.u32 s7, $0x3  }
0xc: {  	s11 =	ssub.s32 s5, s30;
	s9 =	sadd.s32 s6, s4;
	s10 =	sadd.s32 s29, s4  }
0xd: {  	s4 =	sadd.s32 s31, s2;
	s5 =	sadd.s32 $0x7600, s9;
	s6 =	sadd.s32 $0x2600, s9  }
0xe: {  	s7 =	sadd.s32 $0x16600, s9;
	s8 =	sadd.s32 $0xC600, s10;
	s9 =	smax.u32 s11, $0x1  }
0xf: {  	v0 =	vimm.f32 $1.000000000e+00;
	v1 =	vimm.f32 $0.0e+00;
	s10 =	simm.s32 $0x4400;
	s11 =	simm.s32 $0x1;
	s16 =	sshrl.u32 s4, $0x3  }
.LBB2_1:
0x10: {  	s20 =	simm.s32 $0x0  }
.LBB2_2:
0x11: {  	p0 =	sne.s32 s20, $0x1FC0  }
.Ltmp0:
0x12: {  	_ = 	snop;
	(pc) =	sbr.rel @p0 .LBB2_2-.Ltmp0, $3  }
0x13: {  	_ =	sdelay $0x1  }
0x14: {  	s21 =	sshra.s32 s20, $0x2  }
0x15: {  	s20 =	sadd.s32 $0x40, s20;
	[tilespmem:s21+$0x3C00] =	vst v0  }
0x16: {  	s20 =	simm.s32 $0x40;
	s21 =	simm.s32 $0x0  }
.LBB2_4:
0x17: {  	p0 =	sne.s32 s20, $0x9FC0;
	[tilespmem:s21+$0x4400] =	vst v1;
	s21 =	smov.u32 s20;
	s20 =	sadd.s32 $0x40, s20  }
.Ltmp1:
0x18: {  	(pc) =	sbr.rel @p0 .LBB2_4-.Ltmp1, $2  }
0x19: {  	_ =	sdelay $0x2  }
0x1a: {  	s21 =	sshra.s32 s21, $0x2  }
0x1b: {  	[tilespmem:s21+$0x4400] =	vst v1  }
0x1c: {  	[spmem:s4] =	stream.linear.scatter [tilespmem:s10], [sflag:$0x1], $0x2800, $0x38;
	[tilespmem:$0x9400] =	vst v63  }
0x1d: {  	_ =	swait.ge [sflag:s11], $0x2800  }
0x1e: {  	[sflag:s11] =	ssyncset.done $0x0  }
0x1f: {  	[sflag:s11] =	ssyncadd.s32 $0xFFFFD800  }
0x20: {  	s20 =	simm.s32 $0x0;
	[bflag:$0x0] =	sbarrier.arrive $0xFFFF  }
0x21: {  	[tilespmem:s20], [sflag:$0x1] =	stream.linear.gather [hbm4b:s5+s20], $0x1400, $0x38;
	[tilespmem:$0x9400] =	vst v63  }
0x22: {  	_ =	swait.ge [sflag:s11], $0x1400  }
0x23: {  	[sflag:s11] =	ssyncset.done $0x0  }
0x24: {  	[sflag:s11] =	ssyncadd.s32 $0xFFFFEC00  }
0x25: {  	[tilespmem:s12], [sflag:$0x1] =	stream.linear.gather [hbm4b:s6+s20], $0x1400, $0x38;
	[tilespmem:$0x9400] =	vst v63  }
0x26: {  	_ =	swait.ge [sflag:s11], $0x1400  }
0x27: {  	[sflag:s11] =	ssyncset.done $0x0  }
0x28: {  	s20 =	simm.s32 $0x0;
	[sflag:s11] =	ssyncadd.s32 $0xFFFFEC00  }
0x29: {  	v3 =	vld [tilespmem:s20+$0x0]  }
0x2a: {  	v2 =	vld [tilespmem:s20+$0x1400];
	_ =	sdelay $0x4  }
0x2b: {  	vm0 =	veq.s32 v3, v2  }
0x2c: {  	s21 =	simm.s32 $0x10;
	v4 =	vsel vm0, $0x2710, v2  }
0x2d: {  	s22 =	simm.s32 $0x80;
	v2 =	vld [tilespmem:s21+$0x0];
	v3 =	vsel vm0, $0x2710, v3;
	[tilespmem:s20+$0x1400] =	vst v4  }
.LBB2_6:
0x2e: {  	p0 =	sne.s32 s22, $0x4FC0;
	v4 =	vld [tilespmem:s21+$0x1400];
	[tilespmem:s20+$0x2800] =	vst v3;
	s20 =	smov.u32 s21;
	_ =	sdelay $0x2  }
.Ltmp2:
0x2f: {  	(pc) =	sbr.rel @p0 .LBB2_6-.Ltmp2, $4  }
0x30: {  	_ = 	snop  }
0x31: {  	vm0 =	veq.s32 v2, v4  }
0x32: {  	s21 =	sshra.s32 s22, $0x2;
	v3 =	vsel vm0, $0x2710, v2;
	v4 =	vsel vm0, $0x2710, v4  }
0x33: {  	s22 =	sadd.s32 $0x40, s22;
	v2 =	vld [tilespmem:s21+$0x0];
	[tilespmem:s20+$0x1400] =	vst v4  }
0x34: {  	v4 =	vld [tilespmem:s21+$0x1400];
	_ =	sdelay $0x4  }
0x35: {  	vm0 =	veq.s32 v2, v4  }
0x36: {  	[tilespmem:s20+$0x2800] =	vst v3;
	v3 =	vsel vm0, $0x2710, v4  }
0x37: {  	v2 =	vsel vm0, $0x2710, v2;
	[tilespmem:s21+$0x1400] =	vst v3  }
0x38: {  	s31 =	simm.s32 $0x2800;
	[tilespmem:s21+$0x2800] =	vst v2  }
0x39: {  	[spmem:s2] =	stream.indirect.scatter.add.f32 [tilespmem:s14], [sflag:$0x1], $0x10, s31, s13, $0xb8;
	[tilespmem:$0x9400] =	vst v63  }
0x3a: {  	s20 =	simm.s32 $0x200;
	_ =	swait.ge [sflag:s11], $0x800  }
.LBB2_8:
0x3b: {  	s21 =	sshra.s32 s20, $0x2;
	[sflag:s11] =	ssyncset.done $0x0;
	p0 =	sne.s32 s20, $0x4E00  }
.Ltmp3:
0x3c: {  	s21 =	sadd.s32 $0x2800, s21;
	[sflag:s11] =	ssyncadd.s32 $0xFFFFF800;
	(pc) =	sbr.rel @p0 .LBB2_8-.Ltmp3, $3  }
0x3d: {  	[spmem:s2] =	stream.indirect.scatter.add.f32 [tilespmem:s14], [sflag:$0x1], $0x10, s21, s13, $0xb8;
	[tilespmem:$0x9400] =	vst v63  }
0x3e: {  	s20 =	sadd.s32 $0x200, s20;
	_ =	sdelay $0x1  }
0x3f: {  	_ =	swait.ge [sflag:s11], $0x800  }
0x40: {  	[sflag:s11] =	ssyncset.done $0x0  }
0x41: {  	[sflag:s11] =	ssyncadd.s32 $0xFFFFF800  }
0x42: {  	[hbm4b:s7+s3] =	stream.linear.scatter [tilespmem:s12], [sflag:$0x1], $0x1400, $0x38;
	[tilespmem:$0x9400] =	vst v63  }
0x43: {  	_ =	swait.ge [sflag:s11], $0x1400  }
0x44: {  	s19 =	sadd.s32 $0x1, s19;
	[sflag:s11] =	ssyncset.done $0x0  }
0x45: {  	p0 =	sne.s32 s19, s9;
	[sflag:s11] =	ssyncadd.s32 $0xFFFFEC00  }
.Ltmp4:
0x46: {  	[bflag:$0x0] =	sbarrier.arrive $0xFFFF;
	(pc) =	sbr.rel @p0 .LBB2_1-.Ltmp4, $4  }
0x47: {  	[hbm:s8@s17], [sflag:s15] =	dma.strided [spmem:s16@s18], $0x500, s11, $0x2   }
0x48: {  	_ =	swait.ge [sflag:s11], $0x500  }
0x49: {  	[sflag:s11] =	ssyncset.done $0x0  }
0x4a: {  	[sflag:s11] =	ssyncadd.s32 $0xFFFFFB00  }
0x4b: {  	_ =	sfence.sel $0x180000  }
0x4c: {  	[bflag:$0x0] =	sbarrier.arrive $0xFFFF  }
0x4d: {  	p0 =	sne.s32 s1, $0x0;
	_ =	strace $0x90000047  }
0x4e: {  	s0 =	sadd.s32 @!p0 $0x100000, s0;
	[bflag:$0x2] =	sbarrier.arrive $0xFFFF  }
0x4f: {  	[sflag:s0] =	ssyncadd.tile.s32 @!p0 $0x1;
	_ =	shalt  }
.Lfunc_end2:
_tile_overlayer_lowered:
.L_overlay_start_2:
0x50: {  	(tag) =	ssettag $0x2  }
0x51: {  	s0 =	rddreg [dreg:$0x0];
	s2 =	stileid.u32  }
0x52: {  	s1 =	rddreg [dreg:$0x1];
	p0 =	sne.s32 s2, $0x0  }
0x53: {  	s3 =	rddreg [dreg:$0x2];
	[bflag:$0x3] =	sbarrier.arrive $0xFFFF;
	s2 =	simm.s32 @!p0 $0x1C01  }
0x54: {  	[timem:s3], [sflag:s2] =	dma.local @!p0 [hbm:s0], s1  }
0x55: {  	s0 =	simm.s32 @!p0 $0x1  }
0x56: {  	_ =	swait.ge @!p0 [sflag:s0], s1  }
0x57: {  	s1 =	ssub.s32 @!p0 $0x0, s1;
	[sflag:s0] =	ssyncset.done @!p0 $0x0  }
0x58: {  	[sflag:s0] =	ssyncadd.s32 @!p0 s1  }
0x59: {  	[bflag:$0x3] =	sbarrier.arrive $0xFFFF  }
0x5a: {  	_ =	shalt  }

</sc_bundles>
